<compile_context>
chip_gen: v7x
topology: tpu7x:2x2x1
jax: 0.10.2.dev20260603
libtpu: 0.0.44.dev20260713+nightly
codegen_flags: <defaults>
</compile_context>

<pallas_src>
import functools

import jax
import jax.numpy as jnp
from jax import lax
from jax.experimental import pallas as pl
from jax.experimental.pallas import tpu as pltpu
from jax.experimental.pallas import tpu_sc as plsc

NUM_FIELDS = 26
BATCH = 16384
FIELD_SIZE = 100000
TOTAL_ROWS = NUM_FIELDS * FIELD_SIZE
LANES = 16
NUM_WORKERS = 32
BPW = BATCH // NUM_WORKERS
JV = BPW // LANES
N_EL = NUM_FIELDS * BPW

CALL_SUBS = (((0, 6), (6, 6)), ((12, 6), (18, 8)))


def _round_up(n, m):
    return (n + m - 1) // m * m


def _slice_spec(f0, nf):
    lo, hi = f0 * FIELD_SIZE, (f0 + nf) * FIELD_SIZE
    size = _round_up(hi - lo, 1024)
    start = min(lo, TOTAL_ROWS - size)
    return start, size, lo - start

_mesh = plsc.VectorSubcoreMesh(core_axis_name="c", subcore_axis_name="s")


def _make_call_kernel(subs, add_bias, accumulate):
    specs = [(f0, nf) + _slice_spec(f0, nf) for f0, nf in subs]
    n_els = [nf * BPW for _, nf, _, _, _ in specs]

    scratch = []
    for n_el in n_els:
        scratch.append(pltpu.VMEM((n_el,), jnp.int32))
        scratch.append(pltpu.VMEM((n_el,), jnp.float32))
    scratch += [
        pltpu.VMEM((LANES,), jnp.float32),
        pltpu.VMEM((BPW,), jnp.float32),
        pltpu.SemaphoreType.DMA,
        pltpu.SemaphoreType.DMA,
    ]

    @functools.partial(
        pl.kernel,
        mesh=_mesh,
        out_type=jax.ShapeDtypeStruct((BATCH,), jnp.float32),
        scratch_types=scratch,
    )
    def _call_kernel(x_hbm, *args):
        ns = len(specs)
        w_hbms = args[:ns]
        b_hbm = args[ns]
        acc_hbm = args[ns + 1] if accumulate else None
        out_hbm = args[ns + 1 + (1 if accumulate else 0)]
        rest = args[ns + 2 + (1 if accumulate else 0):]
        xvs = rest[0:2 * ns:2]
        gaths = rest[1:2 * ns:2]
        bias_v = rest[2 * ns]
        out_v = rest[2 * ns + 1]
        sem_x = rest[2 * ns + 2]
        sem_g = rest[2 * ns + 3]

        wid = lax.axis_index("s") * 2 + lax.axis_index("c")
        base = wid * BPW

        x_copies = [
            pltpu.async_copy(
                x_hbm.at[pl.ds(wid * N_EL + f0 * BPW, n_el)], xv, sem_x)
            for (f0, _, _, _, _), xv, n_el in zip(specs, xvs, n_els)
        ]
        if add_bias:
            pltpu.sync_copy(b_hbm, bias_v)

        g_copies = []
        for (f0, nf, _, _, local_base), xv, gath, w_hbm, xc in zip(
                specs, xvs, gaths, w_hbms, x_copies):
            xc.wait()

            def off_body(v, _, xv=xv, local_base=local_base):
                off = local_base + (v // JV) * FIELD_SIZE
                xv[pl.ds(v * LANES, LANES)] = (xv[pl.ds(v * LANES, LANES)]
                                               + off)
                return 0

            lax.fori_loop(0, nf * JV, off_body, 0)
            g_copies.append(pltpu.async_copy(w_hbm.at[xv], gath, sem_g))

        if accumulate:
            pltpu.sync_copy(acc_hbm.at[pl.ds(base, BPW)], out_v)
        if add_bias:
            seed = bias_v[...]
        else:
            seed = jnp.zeros((LANES,), jnp.float32)

        for si, ((f0, nf, _, _, _), gath, gc) in enumerate(
                zip(specs, gaths, g_copies)):
            gc.wait()
            first = si == 0 and not accumulate

            def r_body(j, _, gath=gath, nf=nf, first=first):
                b0 = (2 * j) * LANES
                b1 = b0 + LANES
                if first:
                    init = (seed, seed)
                else:
                    init = (out_v[pl.ds(b0, LANES)], out_v[pl.ds(b1, LANES)])

                def a_body(f, accs, gath=gath, b0=b0, b1=b1):
                    a0, a1 = accs
                    return (a0 + gath[pl.ds(f * BPW + b0, LANES)],
                            a1 + gath[pl.ds(f * BPW + b1, LANES)])

                a0, a1 = lax.fori_loop(0, nf, a_body, init)
                out_v[pl.ds(b0, LANES)] = a0
                out_v[pl.ds(b1, LANES)] = a1
                return 0

            lax.fori_loop(0, JV // 2, r_body, 0)

        pltpu.sync_copy(out_v, out_hbm.at[pl.ds(base, BPW)])

    return _call_kernel


_CALL_KERNELS = [_make_call_kernel(subs, i == 0, i > 0)
                 for i, subs in enumerate(CALL_SUBS)]


def kernel(x, fc_weight, bias):
    xp = (x.astype(jnp.int32)
          .reshape(NUM_WORKERS, BPW, NUM_FIELDS)
          .transpose(0, 2, 1)
          .reshape(-1))
    b16 = jnp.broadcast_to(bias.astype(jnp.float32), (LANES,))

    total = None
    dep = None
    for subs, ck in zip(CALL_SUBS, _CALL_KERNELS):
        sl2d = []
        for sj, (f0, nf) in enumerate(subs):
            start, size, _ = _slice_spec(f0, nf)
            s = lax.slice(fc_weight, (start, 0), (start + size, 1))
            if dep is not None and sj == 0:
                s = s + dep
            sl2d.append(s)
        bar = lax.optimization_barrier(tuple(sl2d))
        ws = [b.reshape(-1) for b in bar]
        dep = bar[0][:1, :] * 0.0
        if total is None:
            total = ck(xp, *ws, b16)
        else:
            total = ck(xp, *ws, b16, total)
    return total.reshape(BATCH, 1)

# --- scband reference (transcript-rebuilt; emitter-appended) ---
"""Pipeline reference for scband-features-linear-53309134078469 (READ-ONLY COPY).

The authoritative reference and input builder live on the scoring server;
editing this copy changes nothing except your own understanding.
"""

import jax, jax.numpy as jnp
import numpy as np

FIELD_DIMS = [100000] * 26
OUTPUT_DIM = 1
BATCH = 16384
NUM_FIELDS = len(FIELD_DIMS)
TOTAL_ROWS = sum(FIELD_DIMS)


def setup_inputs(seed: int = 0) -> dict:
    key = jax.random.key(seed)
    k_x, k_fc = jax.random.split(key, 2)
    x = jax.random.randint(k_x, (BATCH, NUM_FIELDS), 0, 100000, dtype=jnp.int64)
    # nn.Embedding default init: N(0, 1)
    fc_weight = jax.random.normal(k_fc, (TOTAL_ROWS, OUTPUT_DIM), dtype=jnp.float32)
    bias = jnp.zeros((OUTPUT_DIM,), dtype=jnp.float32)
    return {"x": x, "fc_weight": fc_weight, "bias": bias}


def reference(x, fc_weight, bias):
    offsets = jnp.asarray(
        np.concatenate([[0], np.cumsum(FIELD_DIMS)[:-1]]), dtype=x.dtype
    )
    idx = x + offsets[None, :]                      # (B, F)
    gathered = jnp.take(fc_weight, idx, axis=0)     # (B, F, output_dim)
    a = jnp.sum(gathered, axis=1)                   # (B, output_dim)
    c = a + bias
    return c

if __name__ == "__main__":
    import jax
    _d = setup_inputs()
    print(jax.jit(kernel)(*tuple(_d.values())))

</pallas_src>

<mosaic_0001>
#map = affine_map<(d0, d1) -> (0)>
module attributes {stable_mosaic.version = 14 : i64} {
  func.func @_call_kernel(%arg0: i32, %arg1: i32, %arg2: memref<425984xi32, #tpu.memory_space<hbm>>, %arg3: memref<600064xf32, #tpu.memory_space<hbm>>, %arg4: memref<600064xf32, #tpu.memory_space<hbm>>, %arg5: memref<16xf32, #tpu.memory_space<hbm>>, %arg6: memref<16384xf32, #tpu.memory_space<hbm>>, %arg7: memref<3072xi32, #tpu.memory_space<vmem>>, %arg8: memref<3072xf32, #tpu.memory_space<vmem>>, %arg9: memref<3072xi32, #tpu.memory_space<vmem>>, %arg10: memref<3072xf32, #tpu.memory_space<vmem>>, %arg11: memref<16xf32, #tpu.memory_space<vmem>>, %arg12: memref<512xf32, #tpu.memory_space<vmem>>, %arg13: memref<!tpu.dma_semaphore, #tpu.memory_space<semaphore_mem>>, %arg14: memref<!tpu.dma_semaphore, #tpu.memory_space<semaphore_mem>>) attributes {dimension_semantics = [#tpu.dimension_semantics<core_parallel>, #tpu.dimension_semantics<subcore_parallel>], iteration_bounds = array<i64: 2, 16>, scalar_prefetch = 0 : i64, scratch_operands = 8 : i64, tpu.core_type = #tpu.core_type<sc_vector_subcore>, window_params = [{transform_indices = #map}, {transform_indices = #map}, {transform_indices = #map}, {transform_indices = #map}, {transform_indices = #map}]} {
    %mul3A = arith.constant 2 : i32
    %mul3A_0 = arith.muli %arg1, %mul3A : i32
    %add3A = arith.addi %mul3A_0, %arg0 : i32
    %mul3A_1 = arith.constant 512 : i32
    %mul3A_2 = arith.muli %add3A, %mul3A_1 : i32
    %mul3A_3 = arith.constant 13312 : i32
    %mul3A_4 = arith.muli %add3A, %mul3A_3 : i32
    %add3A_5 = arith.constant 0 : i32
    %add3A_6 = arith.addi %mul3A_4, %add3A_5 : i32
    %dma_start3A = tpu.memref_slice %arg2[%add3A_6] : memref<425984xi32, #tpu.memory_space<hbm>> -> memref<3072xi32, #tpu.memory_space<hbm>>
    %dma_start3A_7 = tpu.memref_slice %arg2[%add3A_6] : memref<425984xi32, #tpu.memory_space<hbm>> -> memref<3072xi32, #tpu.memory_space<hbm>>
    tpu.enqueue_dma source(%dma_start3A_7 : memref<3072xi32, #tpu.memory_space<hbm>>) target(%arg7 : memref<3072xi32, #tpu.memory_space<vmem>>) target_semaphore(%arg13 : memref<!tpu.dma_semaphore, #tpu.memory_space<semaphore_mem>>)
    %mul3A_8 = arith.constant 13312 : i32
    %mul3A_9 = arith.muli %add3A, %mul3A_8 : i32
    %add3A_10 = arith.constant 3072 : i32
    %add3A_11 = arith.addi %mul3A_9, %add3A_10 : i32
    %dma_start3A_12 = tpu.memref_slice %arg2[%add3A_11] : memref<425984xi32, #tpu.memory_space<hbm>> -> memref<3072xi32, #tpu.memory_space<hbm>>
    %dma_start3A_13 = tpu.memref_slice %arg2[%add3A_11] : memref<425984xi32, #tpu.memory_space<hbm>> -> memref<3072xi32, #tpu.memory_space<hbm>>
    tpu.enqueue_dma source(%dma_start3A_13 : memref<3072xi32, #tpu.memory_space<hbm>>) target(%arg9 : memref<3072xi32, #tpu.memory_space<vmem>>) target_semaphore(%arg13 : memref<!tpu.dma_semaphore, #tpu.memory_space<semaphore_mem>>)
    "tpu.region"() ({
      %run_scoped3A = tpu.sem_alloc : memref<!tpu.dma_semaphore, #tpu.memory_space<semaphore_mem>>
      tpu.enqueue_dma source(%arg5 : memref<16xf32, #tpu.memory_space<hbm>>) target(%arg11 : memref<16xf32, #tpu.memory_space<vmem>>) target_semaphore(%run_scoped3A : memref<!tpu.dma_semaphore, #tpu.memory_space<semaphore_mem>>)
      tpu.wait_dma2 semaphore(%run_scoped3A : memref<!tpu.dma_semaphore, #tpu.memory_space<semaphore_mem>>) src(%arg5 : memref<16xf32, #tpu.memory_space<hbm>>) dst(%arg11 : memref<16xf32, #tpu.memory_space<vmem>>)
      tpu.yield
    }) : () -> ()
    %dma_wait3A = tpu.memref_slice %arg2[%add3A_6] : memref<425984xi32, #tpu.memory_space<hbm>> -> memref<3072xi32, #tpu.memory_space<hbm>>
    %dma_wait3A_14 = tpu.memref_slice %arg2[%add3A_6] : memref<425984xi32, #tpu.memory_space<hbm>> -> memref<3072xi32, #tpu.memory_space<hbm>>
    tpu.wait_dma2 semaphore(%arg13 : memref<!tpu.dma_semaphore, #tpu.memory_space<semaphore_mem>>) src(%dma_wait3A_14 : memref<3072xi32, #tpu.memory_space<hbm>>) dst(%arg7 : memref<3072xi32, #tpu.memory_space<vmem>>)
    %scan3A = arith.constant 0 : i32
    %scan3A_15 = arith.constant 0 : i32
    %scan3A_16 = arith.constant 192 : i32
    %scan3A_17 = arith.addi %scan3A_15, %scan3A_16 : i32
    %scan3A_18 = arith.constant 1 : i32
    %scan3A_19 = scf.for %scan3A_54 = %scan3A_15 to %scan3A_17 step %scan3A_18 iter_args(%scan3A_55 = %scan3A) -> (i32)  : i32 {
      %jit3A = arith.constant 32 : i32
      %div3A = arith.divsi %scan3A_54, %jit3A : i32
      %sign3A = arith.constant 0 : i32
      %sign3A_56 = arith.cmpi sgt, %scan3A_54, %sign3A : i32
      %sign3A_57 = arith.extui %sign3A_56 : i1 to i32
      %sign3A_58 = arith.constant 0 : i32
      %sign3A_59 = arith.cmpi slt, %scan3A_54, %sign3A_58 : i32
      %sign3A_60 = arith.extui %sign3A_59 : i1 to i32
      %sign3A_61 = arith.subi %sign3A_57, %sign3A_60 : i32
      %sign3A_62 = arith.constant 0 : i32
      %sign3A_63 = arith.cmpi sgt, %jit3A, %sign3A_62 : i32
      %sign3A_64 = arith.extui %sign3A_63 : i1 to i32
      %sign3A_65 = arith.constant 0 : i32
      %sign3A_66 = arith.cmpi slt, %jit3A, %sign3A_65 : i32
      %sign3A_67 = arith.extui %sign3A_66 : i1 to i32
      %sign3A_68 = arith.subi %sign3A_64, %sign3A_67 : i32
      %ne3A = arith.cmpi ne, %sign3A_61, %sign3A_68 : i32
      %rem3A = arith.remsi %scan3A_54, %jit3A : i32
      %ne3A_69 = arith.constant 0 : i32
      %ne3A_70 = arith.cmpi ne, %rem3A, %ne3A_69 : i32
      %and3A = arith.andi %ne3A, %ne3A_70 : i1
      %sub3A = arith.constant 1 : i32
      %sub3A_71 = arith.subi %div3A, %sub3A : i32
      %select_n3A = arith.select %and3A, %sub3A_71, %div3A : i32
      %mul3A_72 = arith.constant 100000 : i32
      %mul3A_73 = arith.muli %select_n3A, %mul3A_72 : i32
      %add3A_74 = arith.constant 0 : i32
      %add3A_75 = arith.addi %add3A_74, %mul3A_73 : i32
      %mul3A_76 = arith.constant 16 : i32
      %mul3A_77 = arith.muli %scan3A_54, %mul3A_76 : i32
      %get3A_78 = arith.index_cast %mul3A_77 : i32 to index
      %get3A_79 = tpu.vector_load %arg7[%get3A_78] {strides = array<i32>} : memref<3072xi32, #tpu.memory_space<vmem>>, vector<16xi32>,
      %get3A_80 = vector.shape_cast %get3A_79 : vector<16xi32> to vector<16xi32>
      %add3A_81 = vector.broadcast %add3A_75 : i32 to vector<16xi32>
      %add3A_82 = arith.addi %get3A_80, %add3A_81 : vector<16xi32>
      %mul3A_83 = arith.constant 16 : i32
      %mul3A_84 = arith.muli %scan3A_54, %mul3A_83 : i32
      %swap3A = arith.index_cast %mul3A_84 : i32 to index
      %swap3A_85 = tpu.vector_load %arg7[%swap3A] {strides = array<i32>} : memref<3072xi32, #tpu.memory_space<vmem>>, vector<16xi32>,
      %swap3A_86 = vector.shape_cast %swap3A_85 : vector<16xi32> to vector<16xi32>
      %swap3A_87 = vector.shape_cast %add3A_82 : vector<16xi32> to vector<16xi32>
      tpu.vector_store %arg7[%swap3A], %swap3A_87 {strides = array<i32>} : memref<3072xi32, #tpu.memory_space<vmem>>, vector<16xi32>,
      %scan3A_88 = arith.constant 0 : i32
      scf.yield %scan3A_88 : i32
    }
    %scan3A_20 = arith.constant 192 : i32
    %dma_start3A_21 = arith.constant 0 : i32
    %dma_start3A_22 = tpu.memref_slice %arg3[%dma_start3A_21] : memref<600064xf32, #tpu.memory_space<hbm>> -> memref<600064xf32, #tpu.memory_space<hbm>>
    tpu.enqueue_indirect_dma source(%dma_start3A_22 : memref<600064xf32, #tpu.memory_space<hbm>>) target(%arg8 : memref<3072xf32, #tpu.memory_space<vmem>>) offsets(%arg7 : memref<3072xi32, #tpu.memory_space<vmem>>) semaphore(%arg14 : memref<!tpu.dma_semaphore, #tpu.memory_space<semaphore_mem>>)
    %dma_wait3A_23 = tpu.memref_slice %arg2[%add3A_11] : memref<425984xi32, #tpu.memory_space<hbm>> -> memref<3072xi32, #tpu.memory_space<hbm>>
    %dma_wait3A_24 = tpu.memref_slice %arg2[%add3A_11] : memref<425984xi32, #tpu.memory_space<hbm>> -> memref<3072xi32, #tpu.memory_space<hbm>>
    tpu.wait_dma2 semaphore(%arg13 : memref<!tpu.dma_semaphore, #tpu.memory_space<semaphore_mem>>) src(%dma_wait3A_24 : memref<3072xi32, #tpu.memory_space<hbm>>) dst(%arg9 : memref<3072xi32, #tpu.memory_space<vmem>>)
    %scan3A_25 = arith.constant 0 : i32
    %scan3A_26 = arith.constant 0 : i32
    %scan3A_27 = arith.constant 192 : i32
    %scan3A_28 = arith.addi %scan3A_26, %scan3A_27 : i32
    %scan3A_29 = arith.constant 1 : i32
    %scan3A_30 = scf.for %scan3A_54 = %scan3A_26 to %scan3A_28 step %scan3A_29 iter_args(%scan3A_55 = %scan3A_25) -> (i32)  : i32 {
      %jit3A = arith.constant 32 : i32
      %div3A = arith.divsi %scan3A_54, %jit3A : i32
      %sign3A = arith.constant 0 : i32
      %sign3A_56 = arith.cmpi sgt, %scan3A_54, %sign3A : i32
      %sign3A_57 = arith.extui %sign3A_56 : i1 to i32
      %sign3A_58 = arith.constant 0 : i32
      %sign3A_59 = arith.cmpi slt, %scan3A_54, %sign3A_58 : i32
      %sign3A_60 = arith.extui %sign3A_59 : i1 to i32
      %sign3A_61 = arith.subi %sign3A_57, %sign3A_60 : i32
      %sign3A_62 = arith.constant 0 : i32
      %sign3A_63 = arith.cmpi sgt, %jit3A, %sign3A_62 : i32
      %sign3A_64 = arith.extui %sign3A_63 : i1 to i32
      %sign3A_65 = arith.constant 0 : i32
      %sign3A_66 = arith.cmpi slt, %jit3A, %sign3A_65 : i32
      %sign3A_67 = arith.extui %sign3A_66 : i1 to i32
      %sign3A_68 = arith.subi %sign3A_64, %sign3A_67 : i32
      %ne3A = arith.cmpi ne, %sign3A_61, %sign3A_68 : i32
      %rem3A = arith.remsi %scan3A_54, %jit3A : i32
      %ne3A_69 = arith.constant 0 : i32
      %ne3A_70 = arith.cmpi ne, %rem3A, %ne3A_69 : i32
      %and3A = arith.andi %ne3A, %ne3A_70 : i1
      %sub3A = arith.constant 1 : i32
      %sub3A_71 = arith.subi %div3A, %sub3A : i32
      %select_n3A = arith.select %and3A, %sub3A_71, %div3A : i32
      %mul3A_72 = arith.constant 100000 : i32
      %mul3A_73 = arith.muli %select_n3A, %mul3A_72 : i32
      %add3A_74 = arith.constant 0 : i32
      %add3A_75 = arith.addi %add3A_74, %mul3A_73 : i32
      %mul3A_76 = arith.constant 16 : i32
      %mul3A_77 = arith.muli %scan3A_54, %mul3A_76 : i32
      %get3A_78 = arith.index_cast %mul3A_77 : i32 to index
      %get3A_79 = tpu.vector_load %arg9[%get3A_78] {strides = array<i32>} : memref<3072xi32, #tpu.memory_space<vmem>>, vector<16xi32>,
      %get3A_80 = vector.shape_cast %get3A_79 : vector<16xi32> to vector<16xi32>
      %add3A_81 = vector.broadcast %add3A_75 : i32 to vector<16xi32>
      %add3A_82 = arith.addi %get3A_80, %add3A_81 : vector<16xi32>
      %mul3A_83 = arith.constant 16 : i32
      %mul3A_84 = arith.muli %scan3A_54, %mul3A_83 : i32
      %swap3A = arith.index_cast %mul3A_84 : i32 to index
      %swap3A_85 = tpu.vector_load %arg9[%swap3A] {strides = array<i32>} : memref<3072xi32, #tpu.memory_space<vmem>>, vector<16xi32>,
      %swap3A_86 = vector.shape_cast %swap3A_85 : vector<16xi32> to vector<16xi32>
      %swap3A_87 = vector.shape_cast %add3A_82 : vector<16xi32> to vector<16xi32>
      tpu.vector_store %arg9[%swap3A], %swap3A_87 {strides = array<i32>} : memref<3072xi32, #tpu.memory_space<vmem>>, vector<16xi32>,
      %scan3A_88 = arith.constant 0 : i32
      scf.yield %scan3A_88 : i32
    }
    %scan3A_31 = arith.constant 192 : i32
    %dma_start3A_32 = arith.constant 0 : i32
    %dma_start3A_33 = tpu.memref_slice %arg4[%dma_start3A_32] : memref<600064xf32, #tpu.memory_space<hbm>> -> memref<600064xf32, #tpu.memory_space<hbm>>
    tpu.enqueue_indirect_dma source(%dma_start3A_33 : memref<600064xf32, #tpu.memory_space<hbm>>) target(%arg10 : memref<3072xf32, #tpu.memory_space<vmem>>) offsets(%arg9 : memref<3072xi32, #tpu.memory_space<vmem>>) semaphore(%arg14 : memref<!tpu.dma_semaphore, #tpu.memory_space<semaphore_mem>>)
    %get3A = arith.constant 0 : index
    %get3A_34 = tpu.vector_load %arg11[%get3A] {strides = array<i32>} : memref<16xf32, #tpu.memory_space<vmem>>, vector<16xf32>,
    %get3A_35 = vector.shape_cast %get3A_34 : vector<16xf32> to vector<16xf32>
    %dma_wait3A_36 = arith.constant 0 : i32
    %dma_wait3A_37 = tpu.memref_slice %arg3[%dma_wait3A_36] : memref<600064xf32, #tpu.memory_space<hbm>> -> memref<600064xf32, #tpu.memory_space<hbm>>
    tpu.wait_indirect_dma semaphore(%arg14 : memref<!tpu.dma_semaphore, #tpu.memory_space<semaphore_mem>>) src(%dma_wait3A_37 : memref<600064xf32, #tpu.memory_space<hbm>>) dst(%arg8 : memref<3072xf32, #tpu.memory_space<vmem>>)
    %scan3A_38 = arith.constant 0 : i32
    %scan3A_39 = arith.constant 0 : i32
    %scan3A_40 = arith.constant 16 : i32
    %scan3A_41 = arith.addi %scan3A_39, %scan3A_40 : i32
    %scan3A_42 = arith.constant 1 : i32
    %scan3A_43 = scf.for %scan3A_54 = %scan3A_39 to %scan3A_41 step %scan3A_42 iter_args(%scan3A_55 = %scan3A_38) -> (i32)  : i32 {
      %mul3A_56 = arith.constant 2 : i32
      %mul3A_57 = arith.muli %mul3A_56, %scan3A_54 : i32
      %mul3A_58 = arith.constant 16 : i32
      %mul3A_59 = arith.muli %mul3A_57, %mul3A_58 : i32
      %add3A_60 = arith.constant 16 : i32
      %add3A_61 = arith.addi %mul3A_59, %add3A_60 : i32
      %scan3A_62 = arith.constant 0 : i32
      %scan3A_63 = arith.constant 6 : i32
      %scan3A_64 = arith.addi %scan3A_62, %scan3A_63 : i32
      %scan3A_65 = arith.constant 1 : i32
      %scan3A_66:2 = scf.for %scan3A_76 = %scan3A_62 to %scan3A_64 step %scan3A_65 iter_args(%scan3A_77 = %get3A_35, %scan3A_78 = %get3A_35) -> (vector<16xf32>, vector<16xf32>)  : i32 {
        %mul3A_79 = arith.constant 512 : i32
        %mul3A_80 = arith.muli %scan3A_76, %mul3A_79 : i32
        %add3A_81 = arith.addi %mul3A_80, %mul3A_59 : i32
        %get3A_82 = arith.index_cast %add3A_81 : i32 to index
        %get3A_83 = tpu.vector_load %arg8[%get3A_82] {strides = array<i32>} : memref<3072xf32, #tpu.memory_space<vmem>>, vector<16xf32>,
        %get3A_84 = vector.shape_cast %get3A_83 : vector<16xf32> to vector<16xf32>
        %add3A_85 = arith.addf %scan3A_77, %get3A_84 : vector<16xf32>
        %mul3A_86 = arith.constant 512 : i32
        %mul3A_87 = arith.muli %scan3A_76, %mul3A_86 : i32
        %add3A_88 = arith.addi %mul3A_87, %add3A_61 : i32
        %get3A_89 = arith.index_cast %add3A_88 : i32 to index
        %get3A_90 = tpu.vector_load %arg8[%get3A_89] {strides = array<i32>} : memref<3072xf32, #tpu.memory_space<vmem>>, vector<16xf32>,
        %get3A_91 = vector.shape_cast %get3A_90 : vector<16xf32> to vector<16xf32>
        %add3A_92 = arith.addf %scan3A_78, %get3A_91 : vector<16xf32>
        scf.yield %add3A_85, %add3A_92 : vector<16xf32>, vector<16xf32>
      }
      %scan3A_67 = arith.constant 6 : i32
      %swap3A = arith.index_cast %mul3A_59 : i32 to index
      %swap3A_68 = tpu.vector_load %arg12[%swap3A] {strides = array<i32>} : memref<512xf32, #tpu.memory_space<vmem>>, vector<16xf32>,
      %swap3A_69 = vector.shape_cast %swap3A_68 : vector<16xf32> to vector<16xf32>
      %swap3A_70 = vector.shape_cast %scan3A_66#0 : vector<16xf32> to vector<16xf32>
      tpu.vector_store %arg12[%swap3A], %swap3A_70 {strides = array<i32>} : memref<512xf32, #tpu.memory_space<vmem>>, vector<16xf32>,
      %swap3A_71 = arith.index_cast %add3A_61 : i32 to index
      %swap3A_72 = tpu.vector_load %arg12[%swap3A_71] {strides = array<i32>} : memref<512xf32, #tpu.memory_space<vmem>>, vector<16xf32>,
      %swap3A_73 = vector.shape_cast %swap3A_72 : vector<16xf32> to vector<16xf32>
      %swap3A_74 = vector.shape_cast %scan3A_66#1 : vector<16xf32> to vector<16xf32>
      tpu.vector_store %arg12[%swap3A_71], %swap3A_74 {strides = array<i32>} : memref<512xf32, #tpu.memory_space<vmem>>, vector<16xf32>,
      %scan3A_75 = arith.constant 0 : i32
      scf.yield %scan3A_75 : i32
    }
    %scan3A_44 = arith.constant 16 : i32
    %dma_wait3A_45 = arith.constant 0 : i32
    %dma_wait3A_46 = tpu.memref_slice %arg4[%dma_wait3A_45] : memref<600064xf32, #tpu.memory_space<hbm>> -> memref<600064xf32, #tpu.memory_space<hbm>>
    tpu.wait_indirect_dma semaphore(%arg14 : memref<!tpu.dma_semaphore, #tpu.memory_space<semaphore_mem>>) src(%dma_wait3A_46 : memref<600064xf32, #tpu.memory_space<hbm>>) dst(%arg10 : memref<3072xf32, #tpu.memory_space<vmem>>)
    %scan3A_47 = arith.constant 0 : i32
    %scan3A_48 = arith.constant 0 : i32
    %scan3A_49 = arith.constant 16 : i32
    %scan3A_50 = arith.addi %scan3A_48, %scan3A_49 : i32
    %scan3A_51 = arith.constant 1 : i32
    %scan3A_52 = scf.for %scan3A_54 = %scan3A_48 to %scan3A_50 step %scan3A_51 iter_args(%scan3A_55 = %scan3A_47) -> (i32)  : i32 {
      %mul3A_56 = arith.constant 2 : i32
      %mul3A_57 = arith.muli %mul3A_56, %scan3A_54 : i32
      %mul3A_58 = arith.constant 16 : i32
      %mul3A_59 = arith.muli %mul3A_57, %mul3A_58 : i32
      %add3A_60 = arith.constant 16 : i32
      %add3A_61 = arith.addi %mul3A_59, %add3A_60 : i32
      %get3A_62 = arith.index_cast %mul3A_59 : i32 to index
      %get3A_63 = tpu.vector_load %arg12[%get3A_62] {strides = array<i32>} : memref<512xf32, #tpu.memory_space<vmem>>, vector<16xf32>,
      %get3A_64 = vector.shape_cast %get3A_63 : vector<16xf32> to vector<16xf32>
      %get3A_65 = arith.index_cast %add3A_61 : i32 to index
      %get3A_66 = tpu.vector_load %arg12[%get3A_65] {strides = array<i32>} : memref<512xf32, #tpu.memory_space<vmem>>, vector<16xf32>,
      %get3A_67 = vector.shape_cast %get3A_66 : vector<16xf32> to vector<16xf32>
      %scan3A_68 = arith.constant 0 : i32
      %scan3A_69 = arith.constant 6 : i32
      %scan3A_70 = arith.addi %scan3A_68, %scan3A_69 : i32
      %scan3A_71 = arith.constant 1 : i32
      %scan3A_72:2 = scf.for %scan3A_82 = %scan3A_68 to %scan3A_70 step %scan3A_71 iter_args(%scan3A_83 = %get3A_64, %scan3A_84 = %get3A_67) -> (vector<16xf32>, vector<16xf32>)  : i32 {
        %mul3A_85 = arith.constant 512 : i32
        %mul3A_86 = arith.muli %scan3A_82, %mul3A_85 : i32
        %add3A_87 = arith.addi %mul3A_86, %mul3A_59 : i32
        %get3A_88 = arith.index_cast %add3A_87 : i32 to index
        %get3A_89 = tpu.vector_load %arg10[%get3A_88] {strides = array<i32>} : memref<3072xf32, #tpu.memory_space<vmem>>, vector<16xf32>,
        %get3A_90 = vector.shape_cast %get3A_89 : vector<16xf32> to vector<16xf32>
        %add3A_91 = arith.addf %scan3A_83, %get3A_90 : vector<16xf32>
        %mul3A_92 = arith.constant 512 : i32
        %mul3A_93 = arith.muli %scan3A_82, %mul3A_92 : i32
        %add3A_94 = arith.addi %mul3A_93, %add3A_61 : i32
        %get3A_95 = arith.index_cast %add3A_94 : i32 to index
        %get3A_96 = tpu.vector_load %arg10[%get3A_95] {strides = array<i32>} : memref<3072xf32, #tpu.memory_space<vmem>>, vector<16xf32>,
        %get3A_97 = vector.shape_cast %get3A_96 : vector<16xf32> to vector<16xf32>
        %add3A_98 = arith.addf %scan3A_84, %get3A_97 : vector<16xf32>
        scf.yield %add3A_91, %add3A_98 : vector<16xf32>, vector<16xf32>
      }
      %scan3A_73 = arith.constant 6 : i32
      %swap3A = arith.index_cast %mul3A_59 : i32 to index
      %swap3A_74 = tpu.vector_load %arg12[%swap3A] {strides = array<i32>} : memref<512xf32, #tpu.memory_space<vmem>>, vector<16xf32>,
      %swap3A_75 = vector.shape_cast %swap3A_74 : vector<16xf32> to vector<16xf32>
      %swap3A_76 = vector.shape_cast %scan3A_72#0 : vector<16xf32> to vector<16xf32>
      tpu.vector_store %arg12[%swap3A], %swap3A_76 {strides = array<i32>} : memref<512xf32, #tpu.memory_space<vmem>>, vector<16xf32>,
      %swap3A_77 = arith.index_cast %add3A_61 : i32 to index
      %swap3A_78 = tpu.vector_load %arg12[%swap3A_77] {strides = array<i32>} : memref<512xf32, #tpu.memory_space<vmem>>, vector<16xf32>,
      %swap3A_79 = vector.shape_cast %swap3A_78 : vector<16xf32> to vector<16xf32>
      %swap3A_80 = vector.shape_cast %scan3A_72#1 : vector<16xf32> to vector<16xf32>
      tpu.vector_store %arg12[%swap3A_77], %swap3A_80 {strides = array<i32>} : memref<512xf32, #tpu.memory_space<vmem>>, vector<16xf32>,
      %scan3A_81 = arith.constant 0 : i32
      scf.yield %scan3A_81 : i32
    }
    %scan3A_53 = arith.constant 16 : i32
    "tpu.region"() ({
      %run_scoped3A = tpu.sem_alloc : memref<!tpu.dma_semaphore, #tpu.memory_space<semaphore_mem>>
      %dma_start3A_54 = tpu.memref_slice %arg6[%mul3A_2] : memref<16384xf32, #tpu.memory_space<hbm>> -> memref<512xf32, #tpu.memory_space<hbm>>
      %dma_start3A_55 = tpu.memref_slice %arg6[%mul3A_2] : memref<16384xf32, #tpu.memory_space<hbm>> -> memref<512xf32, #tpu.memory_space<hbm>>
      tpu.enqueue_dma source(%arg12 : memref<512xf32, #tpu.memory_space<vmem>>) target(%dma_start3A_55 : memref<512xf32, #tpu.memory_space<hbm>>) target_semaphore(%run_scoped3A : memref<!tpu.dma_semaphore, #tpu.memory_space<semaphore_mem>>)
      %dma_wait3A_56 = tpu.memref_slice %arg6[%mul3A_2] : memref<16384xf32, #tpu.memory_space<hbm>> -> memref<512xf32, #tpu.memory_space<hbm>>
      %dma_wait3A_57 = tpu.memref_slice %arg6[%mul3A_2] : memref<16384xf32, #tpu.memory_space<hbm>> -> memref<512xf32, #tpu.memory_space<hbm>>
      tpu.wait_dma2 semaphore(%run_scoped3A : memref<!tpu.dma_semaphore, #tpu.memory_space<semaphore_mem>>) src(%arg12 : memref<512xf32, #tpu.memory_space<vmem>>) dst(%dma_wait3A_57 : memref<512xf32, #tpu.memory_space<hbm>>)
      tpu.yield
    }) : () -> ()
    return
  }
}

#map = affine_map<(d0, d1) -> (0)>
module attributes {stable_mosaic.version = 14 : i64} {
  func.func @_call_kernel(%arg0: i32, %arg1: i32, %arg2: memref<425984xi32, #tpu.memory_space<hbm>>, %arg3: memref<600064xf32, #tpu.memory_space<hbm>>, %arg4: memref<800768xf32, #tpu.memory_space<hbm>>, %arg5: memref<16xf32, #tpu.memory_space<hbm>>, %arg6: memref<16384xf32, #tpu.memory_space<hbm>>, %arg7: memref<16384xf32, #tpu.memory_space<hbm>>, %arg8: memref<3072xi32, #tpu.memory_space<vmem>>, %arg9: memref<3072xf32, #tpu.memory_space<vmem>>, %arg10: memref<4096xi32, #tpu.memory_space<vmem>>, %arg11: memref<4096xf32, #tpu.memory_space<vmem>>, %arg12: memref<16xf32, #tpu.memory_space<vmem>>, %arg13: memref<512xf32, #tpu.memory_space<vmem>>, %arg14: memref<!tpu.dma_semaphore, #tpu.memory_space<semaphore_mem>>, %arg15: memref<!tpu.dma_semaphore, #tpu.memory_space<semaphore_mem>>) attributes {dimension_semantics = [#tpu.dimension_semantics<core_parallel>, #tpu.dimension_semantics<subcore_parallel>], iteration_bounds = array<i64: 2, 16>, scalar_prefetch = 0 : i64, scratch_operands = 8 : i64, tpu.core_type = #tpu.core_type<sc_vector_subcore>, window_params = [{transform_indices = #map}, {transform_indices = #map}, {transform_indices = #map}, {transform_indices = #map}, {transform_indices = #map}, {transform_indices = #map}]} {
    %mul3A = arith.constant 2 : i32
    %mul3A_0 = arith.muli %arg1, %mul3A : i32
    %add3A = arith.addi %mul3A_0, %arg0 : i32
    %mul3A_1 = arith.constant 512 : i32
    %mul3A_2 = arith.muli %add3A, %mul3A_1 : i32
    %mul3A_3 = arith.constant 13312 : i32
    %mul3A_4 = arith.muli %add3A, %mul3A_3 : i32
    %add3A_5 = arith.constant 6144 : i32
    %add3A_6 = arith.addi %mul3A_4, %add3A_5 : i32
    %dma_start3A = tpu.memref_slice %arg2[%add3A_6] : memref<425984xi32, #tpu.memory_space<hbm>> -> memref<3072xi32, #tpu.memory_space<hbm>>
    %dma_start3A_7 = tpu.memref_slice %arg2[%add3A_6] : memref<425984xi32, #tpu.memory_space<hbm>> -> memref<3072xi32, #tpu.memory_space<hbm>>
    tpu.enqueue_dma source(%dma_start3A_7 : memref<3072xi32, #tpu.memory_space<hbm>>) target(%arg8 : memref<3072xi32, #tpu.memory_space<vmem>>) target_semaphore(%arg14 : memref<!tpu.dma_semaphore, #tpu.memory_space<semaphore_mem>>)
    %mul3A_8 = arith.constant 13312 : i32
    %mul3A_9 = arith.muli %add3A, %mul3A_8 : i32
    %add3A_10 = arith.constant 9216 : i32
    %add3A_11 = arith.addi %mul3A_9, %add3A_10 : i32
    %dma_start3A_12 = tpu.memref_slice %arg2[%add3A_11] : memref<425984xi32, #tpu.memory_space<hbm>> -> memref<4096xi32, #tpu.memory_space<hbm>>
    %dma_start3A_13 = tpu.memref_slice %arg2[%add3A_11] : memref<425984xi32, #tpu.memory_space<hbm>> -> memref<4096xi32, #tpu.memory_space<hbm>>
    tpu.enqueue_dma source(%dma_start3A_13 : memref<4096xi32, #tpu.memory_space<hbm>>) target(%arg10 : memref<4096xi32, #tpu.memory_space<vmem>>) target_semaphore(%arg14 : memref<!tpu.dma_semaphore, #tpu.memory_space<semaphore_mem>>)
    %dma_wait3A = tpu.memref_slice %arg2[%add3A_6] : memref<425984xi32, #tpu.memory_space<hbm>> -> memref<3072xi32, #tpu.memory_space<hbm>>
    %dma_wait3A_14 = tpu.memref_slice %arg2[%add3A_6] : memref<425984xi32, #tpu.memory_space<hbm>> -> memref<3072xi32, #tpu.memory_space<hbm>>
    tpu.wait_dma2 semaphore(%arg14 : memref<!tpu.dma_semaphore, #tpu.memory_space<semaphore_mem>>) src(%dma_wait3A_14 : memref<3072xi32, #tpu.memory_space<hbm>>) dst(%arg8 : memref<3072xi32, #tpu.memory_space<vmem>>)
    %scan3A = arith.constant 0 : i32
    %scan3A_15 = arith.constant 0 : i32
    %scan3A_16 = arith.constant 192 : i32
    %scan3A_17 = arith.addi %scan3A_15, %scan3A_16 : i32
    %scan3A_18 = arith.constant 1 : i32
    %scan3A_19 = scf.for %scan3A_53 = %scan3A_15 to %scan3A_17 step %scan3A_18 iter_args(%scan3A_54 = %scan3A) -> (i32)  : i32 {
      %jit3A = arith.constant 32 : i32
      %div3A = arith.divsi %scan3A_53, %jit3A : i32
      %sign3A = arith.constant 0 : i32
      %sign3A_55 = arith.cmpi sgt, %scan3A_53, %sign3A : i32
      %sign3A_56 = arith.extui %sign3A_55 : i1 to i32
      %sign3A_57 = arith.constant 0 : i32
      %sign3A_58 = arith.cmpi slt, %scan3A_53, %sign3A_57 : i32
      %sign3A_59 = arith.extui %sign3A_58 : i1 to i32
      %sign3A_60 = arith.subi %sign3A_56, %sign3A_59 : i32
      %sign3A_61 = arith.constant 0 : i32
      %sign3A_62 = arith.cmpi sgt, %jit3A, %sign3A_61 : i32
      %sign3A_63 = arith.extui %sign3A_62 : i1 to i32
      %sign3A_64 = arith.constant 0 : i32
      %sign3A_65 = arith.cmpi slt, %jit3A, %sign3A_64 : i32
      %sign3A_66 = arith.extui %sign3A_65 : i1 to i32
      %sign3A_67 = arith.subi %sign3A_63, %sign3A_66 : i32
      %ne3A = arith.cmpi ne, %sign3A_60, %sign3A_67 : i32
      %rem3A = arith.remsi %scan3A_53, %jit3A : i32
      %ne3A_68 = arith.constant 0 : i32
      %ne3A_69 = arith.cmpi ne, %rem3A, %ne3A_68 : i32
      %and3A = arith.andi %ne3A, %ne3A_69 : i1
      %sub3A = arith.constant 1 : i32
      %sub3A_70 = arith.subi %div3A, %sub3A : i32
      %select_n3A = arith.select %and3A, %sub3A_70, %div3A : i32
      %mul3A_71 = arith.constant 100000 : i32
      %mul3A_72 = arith.muli %select_n3A, %mul3A_71 : i32
      %add3A_73 = arith.constant 0 : i32
      %add3A_74 = arith.addi %add3A_73, %mul3A_72 : i32
      %mul3A_75 = arith.constant 16 : i32
      %mul3A_76 = arith.muli %scan3A_53, %mul3A_75 : i32
      %get3A = arith.index_cast %mul3A_76 : i32 to index
      %get3A_77 = tpu.vector_load %arg8[%get3A] {strides = array<i32>} : memref<3072xi32, #tpu.memory_space<vmem>>, vector<16xi32>,
      %get3A_78 = vector.shape_cast %get3A_77 : vector<16xi32> to vector<16xi32>
      %add3A_79 = vector.broadcast %add3A_74 : i32 to vector<16xi32>
      %add3A_80 = arith.addi %get3A_78, %add3A_79 : vector<16xi32>
      %mul3A_81 = arith.constant 16 : i32
      %mul3A_82 = arith.muli %scan3A_53, %mul3A_81 : i32
      %swap3A = arith.index_cast %mul3A_82 : i32 to index
      %swap3A_83 = tpu.vector_load %arg8[%swap3A] {strides = array<i32>} : memref<3072xi32, #tpu.memory_space<vmem>>, vector<16xi32>,
      %swap3A_84 = vector.shape_cast %swap3A_83 : vector<16xi32> to vector<16xi32>
      %swap3A_85 = vector.shape_cast %add3A_80 : vector<16xi32> to vector<16xi32>
      tpu.vector_store %arg8[%swap3A], %swap3A_85 {strides = array<i32>} : memref<3072xi32, #tpu.memory_space<vmem>>, vector<16xi32>,
      %scan3A_86 = arith.constant 0 : i32
      scf.yield %scan3A_86 : i32
    }
    %scan3A_20 = arith.constant 192 : i32
    %dma_start3A_21 = arith.constant 0 : i32
    %dma_start3A_22 = tpu.memref_slice %arg3[%dma_start3A_21] : memref<600064xf32, #tpu.memory_space<hbm>> -> memref<600064xf32, #tpu.memory_space<hbm>>
    tpu.enqueue_indirect_dma source(%dma_start3A_22 : memref<600064xf32, #tpu.memory_space<hbm>>) target(%arg9 : memref<3072xf32, #tpu.memory_space<vmem>>) offsets(%arg8 : memref<3072xi32, #tpu.memory_space<vmem>>) semaphore(%arg15 : memref<!tpu.dma_semaphore, #tpu.memory_space<semaphore_mem>>)
    %dma_wait3A_23 = tpu.memref_slice %arg2[%add3A_11] : memref<425984xi32, #tpu.memory_space<hbm>> -> memref<4096xi32, #tpu.memory_space<hbm>>
    %dma_wait3A_24 = tpu.memref_slice %arg2[%add3A_11] : memref<425984xi32, #tpu.memory_space<hbm>> -> memref<4096xi32, #tpu.memory_space<hbm>>
    tpu.wait_dma2 semaphore(%arg14 : memref<!tpu.dma_semaphore, #tpu.memory_space<semaphore_mem>>) src(%dma_wait3A_24 : memref<4096xi32, #tpu.memory_space<hbm>>) dst(%arg10 : memref<4096xi32, #tpu.memory_space<vmem>>)
    %scan3A_25 = arith.constant 0 : i32
    %scan3A_26 = arith.constant 0 : i32
    %scan3A_27 = arith.constant 256 : i32
    %scan3A_28 = arith.addi %scan3A_26, %scan3A_27 : i32
    %scan3A_29 = arith.constant 1 : i32
    %scan3A_30 = scf.for %scan3A_53 = %scan3A_26 to %scan3A_28 step %scan3A_29 iter_args(%scan3A_54 = %scan3A_25) -> (i32)  : i32 {
      %jit3A = arith.constant 32 : i32
      %div3A = arith.divsi %scan3A_53, %jit3A : i32
      %sign3A = arith.constant 0 : i32
      %sign3A_55 = arith.cmpi sgt, %scan3A_53, %sign3A : i32
      %sign3A_56 = arith.extui %sign3A_55 : i1 to i32
      %sign3A_57 = arith.constant 0 : i32
      %sign3A_58 = arith.cmpi slt, %scan3A_53, %sign3A_57 : i32
      %sign3A_59 = arith.extui %sign3A_58 : i1 to i32
      %sign3A_60 = arith.subi %sign3A_56, %sign3A_59 : i32
      %sign3A_61 = arith.constant 0 : i32
      %sign3A_62 = arith.cmpi sgt, %jit3A, %sign3A_61 : i32
      %sign3A_63 = arith.extui %sign3A_62 : i1 to i32
      %sign3A_64 = arith.constant 0 : i32
      %sign3A_65 = arith.cmpi slt, %jit3A, %sign3A_64 : i32
      %sign3A_66 = arith.extui %sign3A_65 : i1 to i32
      %sign3A_67 = arith.subi %sign3A_63, %sign3A_66 : i32
      %ne3A = arith.cmpi ne, %sign3A_60, %sign3A_67 : i32
      %rem3A = arith.remsi %scan3A_53, %jit3A : i32
      %ne3A_68 = arith.constant 0 : i32
      %ne3A_69 = arith.cmpi ne, %rem3A, %ne3A_68 : i32
      %and3A = arith.andi %ne3A, %ne3A_69 : i1
      %sub3A = arith.constant 1 : i32
      %sub3A_70 = arith.subi %div3A, %sub3A : i32
      %select_n3A = arith.select %and3A, %sub3A_70, %div3A : i32
      %mul3A_71 = arith.constant 100000 : i32
      %mul3A_72 = arith.muli %select_n3A, %mul3A_71 : i32
      %add3A_73 = arith.constant 768 : i32
      %add3A_74 = arith.addi %add3A_73, %mul3A_72 : i32
      %mul3A_75 = arith.constant 16 : i32
      %mul3A_76 = arith.muli %scan3A_53, %mul3A_75 : i32
      %get3A = arith.index_cast %mul3A_76 : i32 to index
      %get3A_77 = tpu.vector_load %arg10[%get3A] {strides = array<i32>} : memref<4096xi32, #tpu.memory_space<vmem>>, vector<16xi32>,
      %get3A_78 = vector.shape_cast %get3A_77 : vector<16xi32> to vector<16xi32>
      %add3A_79 = vector.broadcast %add3A_74 : i32 to vector<16xi32>
      %add3A_80 = arith.addi %get3A_78, %add3A_79 : vector<16xi32>
      %mul3A_81 = arith.constant 16 : i32
      %mul3A_82 = arith.muli %scan3A_53, %mul3A_81 : i32
      %swap3A = arith.index_cast %mul3A_82 : i32 to index
      %swap3A_83 = tpu.vector_load %arg10[%swap3A] {strides = array<i32>} : memref<4096xi32, #tpu.memory_space<vmem>>, vector<16xi32>,
      %swap3A_84 = vector.shape_cast %swap3A_83 : vector<16xi32> to vector<16xi32>
      %swap3A_85 = vector.shape_cast %add3A_80 : vector<16xi32> to vector<16xi32>
      tpu.vector_store %arg10[%swap3A], %swap3A_85 {strides = array<i32>} : memref<4096xi32, #tpu.memory_space<vmem>>, vector<16xi32>,
      %scan3A_86 = arith.constant 0 : i32
      scf.yield %scan3A_86 : i32
    }
    %scan3A_31 = arith.constant 256 : i32
    %dma_start3A_32 = arith.constant 0 : i32
    %dma_start3A_33 = tpu.memref_slice %arg4[%dma_start3A_32] : memref<800768xf32, #tpu.memory_space<hbm>> -> memref<800768xf32, #tpu.memory_space<hbm>>
    tpu.enqueue_indirect_dma source(%dma_start3A_33 : memref<800768xf32, #tpu.memory_space<hbm>>) target(%arg11 : memref<4096xf32, #tpu.memory_space<vmem>>) offsets(%arg10 : memref<4096xi32, #tpu.memory_space<vmem>>) semaphore(%arg15 : memref<!tpu.dma_semaphore, #tpu.memory_space<semaphore_mem>>)
    "tpu.region"() ({
      %run_scoped3A = tpu.sem_alloc : memref<!tpu.dma_semaphore, #tpu.memory_space<semaphore_mem>>
      %dma_start3A_53 = tpu.memref_slice %arg6[%mul3A_2] : memref<16384xf32, #tpu.memory_space<hbm>> -> memref<512xf32, #tpu.memory_space<hbm>>
      %dma_start3A_54 = tpu.memref_slice %arg6[%mul3A_2] : memref<16384xf32, #tpu.memory_space<hbm>> -> memref<512xf32, #tpu.memory_space<hbm>>
      tpu.enqueue_dma source(%dma_start3A_54 : memref<512xf32, #tpu.memory_space<hbm>>) target(%arg13 : memref<512xf32, #tpu.memory_space<vmem>>) target_semaphore(%run_scoped3A : memref<!tpu.dma_semaphore, #tpu.memory_space<semaphore_mem>>)
      %dma_wait3A_55 = tpu.memref_slice %arg6[%mul3A_2] : memref<16384xf32, #tpu.memory_space<hbm>> -> memref<512xf32, #tpu.memory_space<hbm>>
      %dma_wait3A_56 = tpu.memref_slice %arg6[%mul3A_2] : memref<16384xf32, #tpu.memory_space<hbm>> -> memref<512xf32, #tpu.memory_space<hbm>>
      tpu.wait_dma2 semaphore(%run_scoped3A : memref<!tpu.dma_semaphore, #tpu.memory_space<semaphore_mem>>) src(%dma_wait3A_56 : memref<512xf32, #tpu.memory_space<hbm>>) dst(%arg13 : memref<512xf32, #tpu.memory_space<vmem>>)
      tpu.yield
    }) : () -> ()
    %broadcast_in_dim3A = arith.constant 0.000000e+00 : f32
    %broadcast_in_dim3A_34 = vector.broadcast %broadcast_in_dim3A : f32 to vector<16xf32>
    %dma_wait3A_35 = arith.constant 0 : i32
    %dma_wait3A_36 = tpu.memref_slice %arg3[%dma_wait3A_35] : memref<600064xf32, #tpu.memory_space<hbm>> -> memref<600064xf32, #tpu.memory_space<hbm>>
    tpu.wait_indirect_dma semaphore(%arg15 : memref<!tpu.dma_semaphore, #tpu.memory_space<semaphore_mem>>) src(%dma_wait3A_36 : memref<600064xf32, #tpu.memory_space<hbm>>) dst(%arg9 : memref<3072xf32, #tpu.memory_space<vmem>>)
    %scan3A_37 = arith.constant 0 : i32
    %scan3A_38 = arith.constant 0 : i32
    %scan3A_39 = arith.constant 16 : i32
    %scan3A_40 = arith.addi %scan3A_38, %scan3A_39 : i32
    %scan3A_41 = arith.constant 1 : i32
    %scan3A_42 = scf.for %scan3A_53 = %scan3A_38 to %scan3A_40 step %scan3A_41 iter_args(%scan3A_54 = %scan3A_37) -> (i32)  : i32 {
      %mul3A_55 = arith.constant 2 : i32
      %mul3A_56 = arith.muli %mul3A_55, %scan3A_53 : i32
      %mul3A_57 = arith.constant 16 : i32
      %mul3A_58 = arith.muli %mul3A_56, %mul3A_57 : i32
      %add3A_59 = arith.constant 16 : i32
      %add3A_60 = arith.addi %mul3A_58, %add3A_59 : i32
      %get3A = arith.index_cast %mul3A_58 : i32 to index
      %get3A_61 = tpu.vector_load %arg13[%get3A] {strides = array<i32>} : memref<512xf32, #tpu.memory_space<vmem>>, vector<16xf32>,
      %get3A_62 = vector.shape_cast %get3A_61 : vector<16xf32> to vector<16xf32>
      %get3A_63 = arith.index_cast %add3A_60 : i32 to index
      %get3A_64 = tpu.vector_load %arg13[%get3A_63] {strides = array<i32>} : memref<512xf32, #tpu.memory_space<vmem>>, vector<16xf32>,
      %get3A_65 = vector.shape_cast %get3A_64 : vector<16xf32> to vector<16xf32>
      %scan3A_66 = arith.constant 0 : i32
      %scan3A_67 = arith.constant 6 : i32
      %scan3A_68 = arith.addi %scan3A_66, %scan3A_67 : i32
      %scan3A_69 = arith.constant 1 : i32
      %scan3A_70:2 = scf.for %scan3A_80 = %scan3A_66 to %scan3A_68 step %scan3A_69 iter_args(%scan3A_81 = %get3A_62, %scan3A_82 = %get3A_65) -> (vector<16xf32>, vector<16xf32>)  : i32 {
        %mul3A_83 = arith.constant 512 : i32
        %mul3A_84 = arith.muli %scan3A_80, %mul3A_83 : i32
        %add3A_85 = arith.addi %mul3A_84, %mul3A_58 : i32
        %get3A_86 = arith.index_cast %add3A_85 : i32 to index
        %get3A_87 = tpu.vector_load %arg9[%get3A_86] {strides = array<i32>} : memref<3072xf32, #tpu.memory_space<vmem>>, vector<16xf32>,
        %get3A_88 = vector.shape_cast %get3A_87 : vector<16xf32> to vector<16xf32>
        %add3A_89 = arith.addf %scan3A_81, %get3A_88 : vector<16xf32>
        %mul3A_90 = arith.constant 512 : i32
        %mul3A_91 = arith.muli %scan3A_80, %mul3A_90 : i32
        %add3A_92 = arith.addi %mul3A_91, %add3A_60 : i32
        %get3A_93 = arith.index_cast %add3A_92 : i32 to index
        %get3A_94 = tpu.vector_load %arg9[%get3A_93] {strides = array<i32>} : memref<3072xf32, #tpu.memory_space<vmem>>, vector<16xf32>,
        %get3A_95 = vector.shape_cast %get3A_94 : vector<16xf32> to vector<16xf32>
        %add3A_96 = arith.addf %scan3A_82, %get3A_95 : vector<16xf32>
        scf.yield %add3A_89, %add3A_96 : vector<16xf32>, vector<16xf32>
      }
      %scan3A_71 = arith.constant 6 : i32
      %swap3A = arith.index_cast %mul3A_58 : i32 to index
      %swap3A_72 = tpu.vector_load %arg13[%swap3A] {strides = array<i32>} : memref<512xf32, #tpu.memory_space<vmem>>, vector<16xf32>,
      %swap3A_73 = vector.shape_cast %swap3A_72 : vector<16xf32> to vector<16xf32>
      %swap3A_74 = vector.shape_cast %scan3A_70#0 : vector<16xf32> to vector<16xf32>
      tpu.vector_store %arg13[%swap3A], %swap3A_74 {strides = array<i32>} : memref<512xf32, #tpu.memory_space<vmem>>, vector<16xf32>,
      %swap3A_75 = arith.index_cast %add3A_60 : i32 to index
      %swap3A_76 = tpu.vector_load %arg13[%swap3A_75] {strides = array<i32>} : memref<512xf32, #tpu.memory_space<vmem>>, vector<16xf32>,
      %swap3A_77 = vector.shape_cast %swap3A_76 : vector<16xf32> to vector<16xf32>
      %swap3A_78 = vector.shape_cast %scan3A_70#1 : vector<16xf32> to vector<16xf32>
      tpu.vector_store %arg13[%swap3A_75], %swap3A_78 {strides = array<i32>} : memref<512xf32, #tpu.memory_space<vmem>>, vector<16xf32>,
      %scan3A_79 = arith.constant 0 : i32
      scf.yield %scan3A_79 : i32
    }
    %scan3A_43 = arith.constant 16 : i32
    %dma_wait3A_44 = arith.constant 0 : i32
    %dma_wait3A_45 = tpu.memref_slice %arg4[%dma_wait3A_44] : memref<800768xf32, #tpu.memory_space<hbm>> -> memref<800768xf32, #tpu.memory_space<hbm>>
    tpu.wait_indirect_dma semaphore(%arg15 : memref<!tpu.dma_semaphore, #tpu.memory_space<semaphore_mem>>) src(%dma_wait3A_45 : memref<800768xf32, #tpu.memory_space<hbm>>) dst(%arg11 : memref<4096xf32, #tpu.memory_space<vmem>>)
    %scan3A_46 = arith.constant 0 : i32
    %scan3A_47 = arith.constant 0 : i32
    %scan3A_48 = arith.constant 16 : i32
    %scan3A_49 = arith.addi %scan3A_47, %scan3A_48 : i32
    %scan3A_50 = arith.constant 1 : i32
    %scan3A_51 = scf.for %scan3A_53 = %scan3A_47 to %scan3A_49 step %scan3A_50 iter_args(%scan3A_54 = %scan3A_46) -> (i32)  : i32 {
      %mul3A_55 = arith.constant 2 : i32
      %mul3A_56 = arith.muli %mul3A_55, %scan3A_53 : i32
      %mul3A_57 = arith.constant 16 : i32
      %mul3A_58 = arith.muli %mul3A_56, %mul3A_57 : i32
      %add3A_59 = arith.constant 16 : i32
      %add3A_60 = arith.addi %mul3A_58, %add3A_59 : i32
      %get3A = arith.index_cast %mul3A_58 : i32 to index
      %get3A_61 = tpu.vector_load %arg13[%get3A] {strides = array<i32>} : memref<512xf32, #tpu.memory_space<vmem>>, vector<16xf32>,
      %get3A_62 = vector.shape_cast %get3A_61 : vector<16xf32> to vector<16xf32>
      %get3A_63 = arith.index_cast %add3A_60 : i32 to index
      %get3A_64 = tpu.vector_load %arg13[%get3A_63] {strides = array<i32>} : memref<512xf32, #tpu.memory_space<vmem>>, vector<16xf32>,
      %get3A_65 = vector.shape_cast %get3A_64 : vector<16xf32> to vector<16xf32>
      %scan3A_66 = arith.constant 0 : i32
      %scan3A_67 = arith.constant 8 : i32
      %scan3A_68 = arith.addi %scan3A_66, %scan3A_67 : i32
      %scan3A_69 = arith.constant 1 : i32
      %scan3A_70:2 = scf.for %scan3A_80 = %scan3A_66 to %scan3A_68 step %scan3A_69 iter_args(%scan3A_81 = %get3A_62, %scan3A_82 = %get3A_65) -> (vector<16xf32>, vector<16xf32>)  : i32 {
        %mul3A_83 = arith.constant 512 : i32
        %mul3A_84 = arith.muli %scan3A_80, %mul3A_83 : i32
        %add3A_85 = arith.addi %mul3A_84, %mul3A_58 : i32
        %get3A_86 = arith.index_cast %add3A_85 : i32 to index
        %get3A_87 = tpu.vector_load %arg11[%get3A_86] {strides = array<i32>} : memref<4096xf32, #tpu.memory_space<vmem>>, vector<16xf32>,
        %get3A_88 = vector.shape_cast %get3A_87 : vector<16xf32> to vector<16xf32>
        %add3A_89 = arith.addf %scan3A_81, %get3A_88 : vector<16xf32>
        %mul3A_90 = arith.constant 512 : i32
        %mul3A_91 = arith.muli %scan3A_80, %mul3A_90 : i32
        %add3A_92 = arith.addi %mul3A_91, %add3A_60 : i32
        %get3A_93 = arith.index_cast %add3A_92 : i32 to index
        %get3A_94 = tpu.vector_load %arg11[%get3A_93] {strides = array<i32>} : memref<4096xf32, #tpu.memory_space<vmem>>, vector<16xf32>,
        %get3A_95 = vector.shape_cast %get3A_94 : vector<16xf32> to vector<16xf32>
        %add3A_96 = arith.addf %scan3A_82, %get3A_95 : vector<16xf32>
        scf.yield %add3A_89, %add3A_96 : vector<16xf32>, vector<16xf32>
      }
      %scan3A_71 = arith.constant 8 : i32
      %swap3A = arith.index_cast %mul3A_58 : i32 to index
      %swap3A_72 = tpu.vector_load %arg13[%swap3A] {strides = array<i32>} : memref<512xf32, #tpu.memory_space<vmem>>, vector<16xf32>,
      %swap3A_73 = vector.shape_cast %swap3A_72 : vector<16xf32> to vector<16xf32>
      %swap3A_74 = vector.shape_cast %scan3A_70#0 : vector<16xf32> to vector<16xf32>
      tpu.vector_store %arg13[%swap3A], %swap3A_74 {strides = array<i32>} : memref<512xf32, #tpu.memory_space<vmem>>, vector<16xf32>,
      %swap3A_75 = arith.index_cast %add3A_60 : i32 to index
      %swap3A_76 = tpu.vector_load %arg13[%swap3A_75] {strides = array<i32>} : memref<512xf32, #tpu.memory_space<vmem>>, vector<16xf32>,
      %swap3A_77 = vector.shape_cast %swap3A_76 : vector<16xf32> to vector<16xf32>
      %swap3A_78 = vector.shape_cast %scan3A_70#1 : vector<16xf32> to vector<16xf32>
      tpu.vector_store %arg13[%swap3A_75], %swap3A_78 {strides = array<i32>} : memref<512xf32, #tpu.memory_space<vmem>>, vector<16xf32>,
      %scan3A_79 = arith.constant 0 : i32
      scf.yield %scan3A_79 : i32
    }
    %scan3A_52 = arith.constant 16 : i32
    "tpu.region"() ({
      %run_scoped3A = tpu.sem_alloc : memref<!tpu.dma_semaphore, #tpu.memory_space<semaphore_mem>>
      %dma_start3A_53 = tpu.memref_slice %arg7[%mul3A_2] : memref<16384xf32, #tpu.memory_space<hbm>> -> memref<512xf32, #tpu.memory_space<hbm>>
      %dma_start3A_54 = tpu.memref_slice %arg7[%mul3A_2] : memref<16384xf32, #tpu.memory_space<hbm>> -> memref<512xf32, #tpu.memory_space<hbm>>
      tpu.enqueue_dma source(%arg13 : memref<512xf32, #tpu.memory_space<vmem>>) target(%dma_start3A_54 : memref<512xf32, #tpu.memory_space<hbm>>) target_semaphore(%run_scoped3A : memref<!tpu.dma_semaphore, #tpu.memory_space<semaphore_mem>>)
      %dma_wait3A_55 = tpu.memref_slice %arg7[%mul3A_2] : memref<16384xf32, #tpu.memory_space<hbm>> -> memref<512xf32, #tpu.memory_space<hbm>>
      %dma_wait3A_56 = tpu.memref_slice %arg7[%mul3A_2] : memref<16384xf32, #tpu.memory_space<hbm>> -> memref<512xf32, #tpu.memory_space<hbm>>
      tpu.wait_dma2 semaphore(%run_scoped3A : memref<!tpu.dma_semaphore, #tpu.memory_space<semaphore_mem>>) src(%arg13 : memref<512xf32, #tpu.memory_space<vmem>>) dst(%dma_wait3A_56 : memref<512xf32, #tpu.memory_space<hbm>>)
      tpu.yield
    }) : () -> ()
    return
  }
}

</mosaic_0001>

<sc_bundles>
// kernel: kernel.4.cloned.1.call-start
scs
__scs_entry_jumppad:
0x0: {  	(pc) =	sbr.rel $0x88, $3  }
0x1: {  	(tag) =	ssettag $0x0;
	lr =	simm.s32 $0x1  }
0x2: {  	[smem:$0x3F9E] =	sst lr;
	_ =	strace $0xD0000000  }
0x3: {  	_ = 	snop  }
0x4: {  	_ = 	snop  }
0x5: {  	_ = 	snop  }
0x6: {  	_ = 	snop  }
0x7: {  	_ = 	snop  }
__scs_overlays_trampoline_lowered:
0x8: {  	[smem:$0x3FAD] =	sst s0  }
0x9: {  	[smem:$0x3FAE] =	sst s1  }
0xa: {  	[smem:$0x3FAF] =	sst s2  }
0xb: {  	[smem:$0x3FB0] =	sst s3  }
0xc: {  	[smem:$0x3FB1] =	sst s4  }
0xd: {  	[smem:$0x3FB2] =	sst s5  }
0xe: {  	[smem:$0x3FB3] =	sst s6  }
0xf: {  	[smem:$0x3FB4] =	sst s7  }
0x10: {  	[smem:$0x3FB5] =	sst s8  }
0x11: {  	[smem:$0x3FB6] =	sst s9;
	s0 =	simm.s32 @!p0 $0x0  }
0x12: {  	s1 =	sld [smem:$0x3F9C];
	s0 =	simm.s32 @p0 $0x1  }
0x13: {  	[smem:$0x3FB7] =	sst s0;
	s0 =	simm.s32 @!p1 $0x0  }
0x14: {  	s2 =	sld [smem:$0x3F9B];
	s0 =	simm.s32 @p1 $0x1  }
0x15: {  	[smem:$0x3FB8] =	sst s0;
	s0 =	simm.s32 @!p2 $0x0  }
0x16: {  	s3 =	sld [smem:$0x3FDB];
	s0 =	simm.s32 @p2 $0x1  }
0x17: {  	s4 =	simm.s32 $0x1BF5;
	[smem:$0x3FBA] =	sst s0  }
0x18: {  	s0 =	sld [smem:$0x3F9D];
	_ =	swait.ge [sflag:s4], $0x0  }
0x19: {  	s7 =	sld [smem:$0x3F9E]  }
0x1a: {  	s8 =	sadd.s32 $0xFFFFE003, lr  }
0x1b: {  	s9 =	sadd.s32 $0xFFFFFEF7, lr;
	s5 =	simm.s32 $0xFFFFFFFF;
	p2 =	slt.u32 s8, $0xFFFFF086  }
0x1c: {  	p1 =	slt.u32 s9, $0xF7A;
	s5 =	simm.s32 @!p2 $0x0  }
0x1d: {  	s5 =	simm.s32 @p1 $0x1;
	p0 =	seq.s32 s7, s2  }
0x1e: {  	s7 =	smul.u32 @!p0 $0xF7A, s2;
	p2 =	seq.s32 @!p0 s5, $0x0  }
0x1f: {  	s9 =	smul.u32 $0xF7A, s1;
	s8 =	simm.s32 @!p0 $0x1BF5;
	p2 =	por !p2, p0  }
0x20: {  	[sflag:s8] =	ssyncset.s32 @!p0 $0xFFFFF086;
	s6 =	sadd.s32 @!p0 s3, s7;
	s7 =	simm.s32 @!p0 $0x108  }
0x21: {  	s3 =	sadd.s32 s3, s9;
	s6 =	sadd.s32 @!p0 $0x88, s6;
	s7 =	simm.s32 @p2 $0x1082  }
0x22: {  	[simem:s7], [sflag:s8] =	dma.local @!p0 [hbm:s6], $0xF7A  }
0x23: {  	s9 =	sor.u32 $0xD0000000, s2;
	s6 =	simm.s32 $0x108;
	_ =	swait.ge @!p0 [sflag:s8], $0x0  }
0x24: {  	s3 =	sadd.s32 $0x88, s3;
	s6 =	simm.s32 @!p1 $0x1082;
	[sflag:s4] =	ssyncset.s32 $0xFFFFF086  }
0x25: {  	[simem:s6], [sflag:s4] =	dma.local [hbm:s3], $0xF7A  }
0x26: {  	[smem:$0x3F9E] =	sst s1;
	(tag) =	ssettag s2;
	_ =	strace s9  }
0x27: {  	s1 =	sld [smem:$0x3FAE]  }
0x28: {  	s2 =	sld [smem:$0x3FAF]  }
0x29: {  	s4 =	sld [smem:$0x3FB1]  }
0x2a: {  	p0 =	seq.s32 s5, $0x0;
	s5 =	sld [smem:$0x3FB2]  }
0x2b: {  	s6 =	sld [smem:$0x3FB3]  }
0x2c: {  	s7 =	sld [smem:$0x3FB4]  }
0x2d: {  	s3 =	simm.s32 $0x108;
	s8 =	sld [smem:$0x3FB5]  }
0x2e: {  	s3 =	simm.s32 @!p0 $0x1082;
	s9 =	sld [smem:$0x3FB6]  }
0x2f: {  	lr =	sadd.s32 s0, s3;
	s0 =	sld [smem:$0x3FAD]  }
0x30: {  	s3 =	sld [smem:$0x3FB0]  }
0x31: {  	[smem:$0x3FB9] =	sst s10  }
0x32: {  	s10 =	sld [smem:$0x3FB7];
	_ =	sdelay $0x3  }
0x33: {  	p0 =	seq.s32 s10, $0x1;
	s10 =	sld [smem:$0x3FB9];
	_ =	sdelay $0x3  }
0x34: {  	[smem:$0x3FB9] =	sst s10  }
0x35: {  	s10 =	sld [smem:$0x3FB8];
	_ =	sdelay $0x3  }
0x36: {  	p1 =	seq.s32 s10, $0x1;
	s10 =	sld [smem:$0x3FB9];
	_ =	sdelay $0x3  }
0x37: {  	[smem:$0x3FB9] =	sst s10  }
0x38: {  	s10 =	sld [smem:$0x3FBA]  }
0x39: {  	_ = 	snop;
	(pc) =	sbr.ind lr, $3  }
0x3a: {  	_ = 	snop  }
0x3b: {  	_ = 	snop  }
0x3c: {  	p2 =	seq.s32 s10, $0x1;
	s10 =	sld [smem:$0x3FB9]  }
0x3d: {  	_ =	shalt  }
0x3e: {  	_ =	shalt  }
0x3f: {  	_ =	shalt  }
0x40: {  	_ =	shalt  }
0x41: {  	_ =	shalt  }
0x42: {  	_ =	shalt  }
0x43: {  	_ =	shalt  }
0x44: {  	_ =	shalt  }
0x45: {  	_ =	shalt  }
0x46: {  	_ =	shalt  }
0x47: {  	_ =	shalt  }
0x48: {  	_ =	shalt  }
0x49: {  	_ =	shalt  }
0x4a: {  	_ =	shalt  }
0x4b: {  	_ =	shalt  }
0x4c: {  	_ =	shalt  }
0x4d: {  	_ =	shalt  }
0x4e: {  	_ =	shalt  }
0x4f: {  	_ =	shalt  }
0x50: {  	_ =	shalt  }
0x51: {  	_ =	shalt  }
0x52: {  	_ =	shalt  }
0x53: {  	_ =	shalt  }
0x54: {  	_ =	shalt  }
0x55: {  	_ =	shalt  }
0x56: {  	_ =	shalt  }
0x57: {  	_ =	shalt  }
0x58: {  	_ =	shalt  }
0x59: {  	_ =	shalt  }
0x5a: {  	_ =	shalt  }
0x5b: {  	_ =	shalt  }
0x5c: {  	_ =	shalt  }
0x5d: {  	_ =	shalt  }
0x5e: {  	_ =	shalt  }
0x5f: {  	_ =	shalt  }
0x60: {  	_ =	shalt  }
0x61: {  	_ =	shalt  }
0x62: {  	_ =	shalt  }
0x63: {  	_ =	shalt  }
0x64: {  	_ =	shalt  }
0x65: {  	_ =	shalt  }
0x66: {  	_ =	shalt  }
0x67: {  	_ =	shalt  }
0x68: {  	_ =	shalt  }
0x69: {  	_ =	shalt  }
0x6a: {  	_ =	shalt  }
0x6b: {  	_ =	shalt  }
0x6c: {  	_ =	shalt  }
0x6d: {  	_ =	shalt  }
0x6e: {  	_ =	shalt  }
0x6f: {  	_ =	shalt  }
0x70: {  	_ =	shalt  }
0x71: {  	_ =	shalt  }
0x72: {  	_ =	shalt  }
0x73: {  	_ =	shalt  }
0x74: {  	_ =	shalt  }
0x75: {  	_ =	shalt  }
0x76: {  	_ =	shalt  }
0x77: {  	_ =	shalt  }
0x78: {  	_ =	shalt  }
0x79: {  	_ =	shalt  }
0x7a: {  	_ =	shalt  }
0x7b: {  	_ =	shalt  }
0x7c: {  	_ =	shalt  }
0x7d: {  	_ =	shalt  }
0x7e: {  	_ =	shalt  }
0x7f: {  	_ =	shalt  }
0x80: {  	_ =	shalt  }
0x81: {  	_ =	shalt  }
0x82: {  	_ =	shalt  }
0x83: {  	_ =	shalt  }
0x84: {  	_ =	shalt  }
0x85: {  	_ =	shalt  }
0x86: {  	_ =	shalt  }
0x87: {  	_ =	shalt  }
.Lfunc_end0:
.L_simem_size_0:
called_computation_lowered:
.L_overlay_start_0:
0x88: {  	s2 =	sld [smem:$0x3FD9]  }
0x89: {  	s3 =	sld [smem:$0x3FFE];
	_ =	sdelay $0x1  }
0x8a: {  	s1 =	srdreg.scid  }
0x8b: {  	s0 =	sand.u32 $0x1, s1  }
0x8c: {  	s16 =	sshll.u32 s0, $0xA;
	s2 =	sadd.s32 s3, s2  }
0x8d: {  	s2 =	sadd.s32 s2, s16  }
0x8e: {  	[smem:$0x3FC5] =	sst s2  }
0x8f: {  	_ = 	snop  }
0x90: {  	(tm) =	ssettm $0x1  }
0x91: {  	s17 =	sld [smem:$0x3FFB];
	_ =	sdelay $0x3  }
0x92: {  	_ =	strace s17  }
0x93: {  	s2 =	sld [smem:$0x3FFC];
	_ =	sdelay $0x3  }
0x94: {  	_ =	strace s2  }
0x95: {  	s2 =	sld [smem:$0x3FFD];
	_ =	sdelay $0x3  }
0x96: {  	_ =	strace s2  }
0x97: {  	_ =	strace $0x8FFFFFFF  }
0x98: {  	s18 =	sld [smem:$0x3FDB];
	_ =	sdelay $0x1  }
0x99: {  	s19 =	simm.s32 $_scs_section_size  }
0x9a: {  	s4 =	simm.s32 $_size__tile_overlayer_lowered;
	s5 =	simm.s32 $_tile_overlayer_lowered  }
0x9b: {  	s22 =	simm.s32 $0x1BFF;
	s21 =	sshll.u32 s5, $0x1;
	s2 =	sadd.s32 s19, s18  }
0x9c: {  	s6 =	simm.s32 $0x0;
	s20 =	sshll.u32 s4, $0x1;
	s4 =	sadd.s32 s21, s2  }
0x9d: {  	[timem:s6], [sflag:s22] =	dma.local [hbm:s4], s20  }
0x9e: {  	_ =	swait.ge [sflag:s22], s20  }
0x9f: {  	s3 =	ssub.s32 $0x0, s20;
	[sflag:s22] =	ssyncset.done $0x0  }
0xa0: {  	[sflag:s22] =	ssyncadd.s32 s3;
	_ =	sdelay $0x1  }
0xa1: {  	s23 =	simm.s32 $0x1B8B  }
0xa2: {  	_ =	swait.ge [sflag:s23], $0x1  }
0xa3: {  	[sflag:s23] =	ssyncset.done $0x0  }
0xa4: {  	s25 =	simm.s32 $0x1B8E;
	s24 =	sld [smem:$0x3FFE];
	[sflag:s23] =	ssyncadd.s32 $0xFFFFFFFF  }
0xa5: {  	s26 =	simm.s32 $execute0_lowered;
	[smem:$0x3FD2] =	sst s25  }
0xa6: {  	s4 =	sshll.u32 s26, $0x1;
	_ =	strace $0x80000046;
	[dreg:$0x1] =	wrdreg $0xFFFFFFFF  }
0xa7: {  	s28 =	simm.s32 $_size_execute0_lowered;
	s2 =	sadd.s32 s2, s4;
	[dreg:$0x0] =	wrdreg $0x0  }
0xa8: {  	s4 =	sshll.u32 s28, $0x1;
	[dreg:$0x2] =	wrdreg s2  }
0xa9: {  	[dreg:$0x3] =	wrdreg s4  }
0xaa: {  	[dreg:$0x4] =	wrdreg $0xC0  }
0xab: {  	_ =	task [dreg:s6], $0x5FFFF  }
0xac: {  	[dreg:$0x1] =	wrdreg $0xFFFFFFFF  }
0xad: {  	[dreg:$0x0] =	wrdreg $0x60  }
0xae: {  	[dreg:$0x2] =	wrdreg s24  }
0xaf: {  	[dreg:$0x3] =	wrdreg $0x9  }
0xb0: {  	_ =	task.clear_ibuf [dreg:s6], $0x4FFFF;
	_ =	strace $0x90000046  }
0xb1: {  	s29 =	simm.s32 $0x9;
	_ =	strace $0x80000048  }
0xb2: {  	_ =	swait.ge [sflag:s29], $0x1  }
0xb3: {  	[sflag:s29] =	ssyncadd.s32 $0xFFFFFFFF  }
0xb4: {  	_ =	strace $0x90000048  }
0xb5: {  	_ =	sfence  }
0xb6: {  	s30 =	sld [smem:$0x0];
	_ =	sdelay $0x2  }
0xb7: {  	s31 =	sshll.u32 s1, $0xD;
	s1 =	sshrl.u32 s1, $0x2  }
0xb8: {  	s3 =	sand.u32 $0x4000, s31;
	s1 =	sadd.s32 s1, s30  }
0xb9: {  	s0 =	sor.u32 s3, s0;
	s1 =	sshll.u32 s1, $0x11  }
0xba: {  	s0 =	sor.u32 s1, s0  }
0xbb: {  	s0 =	sadd.s32 $0x8F2B, s0  }
0xbc: {  	[sflag:s0] =	ssyncadd.remote.s32 $0x1  }
0xbd: {  	_ =	sfence.sel $0xFFFF  }
0xbe: {  	[dreg:$0x0] =	wrdreg $0xFFFFFFFF;
	(pc) =	sbr.abs _section_cstart, $3  }
0xbf: {  	[dreg:$0x1] =	wrdreg $0xFFFFFFFF  }
0xc0: {  	_ =	task.clear_ibuf [dreg:s6], $0x2FFFF;
	_ =	strace $0x9FFFFFFF  }
0xc1: {  	(tm) =	ssettm $0x7FFFFFFF  }
tec
execute0_lowered:
.L_overlay_start_1:
0x0: {  	(tag) =	ssettag $0x1  }
0x1: {  	s1 =	srdreg.scid  }
0x2: {  	s0 =	stileid.u32;
	s7 =	rddreg [dreg:$0x0];
	s2 =	simm.s32 $0x0  }
0x3: {  	s12 =	simm.s32 $0x3;
	s13 =	simm.s32 $0x1;
	s14 =	simm.s32 $0xC00  }
0x4: {  	s15 =	simm.s32 $0x2400;
	s16 =	simm.s32 $0x2;
	s17 =	simm.s32 $0x3080  }
0x5: {  	s5 =	sand.u32 $0x1, s1;
	s31 =	sshll.u32 s0, $0x1;
	s1 =	rddreg [dreg:$0x1]  }
0x6: {  	s18 =	simm.s32 $0x0;
	[smem:$0x7FF] =	sst s2;
	s6 =	sor.u32 s5, s31  }
0x7: {  	s4 =	sadd.s32 $0x1800, s7;
	_ =	strace $0x80000047;
	s3 =	smul.u32 $0x3400, s6  }
0x8: {  	s9 =	ssub.s32 $0x2, s5;
	s5 =	sadd.s32 $0x33400, s7;
	s6 =	sshll.u32 s6, $0x6  }
0x9: {  	s10 =	sshrl.u32 s9, $0x1;
	s11 =	sadd.s32 s6, s7;
	s3 =	sshrl.u32 s3, $0x3  }
0xa: {  	s9 =	ssub.s32 s9, s10;
	s10 =	simm.s32 $0x1800;
	s8 =	sadd.s32 s3, s7  }
0xb: {  	s9 =	smax.u32 s9, $0x1;
	s3 =	sadd.s32 $0x13E00, s7;
	s6 =	sadd.s32 $0x26400, s8  }
0xc: {  	s7 =	sadd.s32 $0x26580, s8;
	s8 =	sadd.s32 $0x33600, s11;
	s11 =	simm.s32 $0x3000  }
.LBB2_1:
0xd: {  	[tilespmem:s2], [sflag:$0x1] =	stream.linear.gather [hbm4b:s6+s2], $0xC00, $0x38;
	[tilespmem:$0x3280] =	vst v63  }
0xe: {  	_ = 	snop  }
0xf: {  	[tilespmem:s10], [sflag:$0x1] =	stream.linear.gather [hbm4b:s7+s2], $0xC00, $0x38;
	[tilespmem:$0x3280] =	vst v63  }
0x10: {  	_ = 	snop  }
0x11: {  	[tilespmem:s11], [sflag:$0x3] =	stream.linear.gather [hbm4b:s5+s2], $0x80, $0x38;
	[tilespmem:$0x3280] =	vst v63  }
0x12: {  	_ =	swait.ge [sflag:s12], $0x80  }
0x13: {  	[sflag:s12] =	ssyncset.done $0x0  }
0x14: {  	[sflag:s12] =	ssyncadd.s32 $0xFFFFFF80  }
0x15: {  	_ =	swait.ge [sflag:s13], $0xC00  }
0x16: {  	[sflag:s13] =	ssyncset.done $0x0  }
0x17: {  	[sflag:s13] =	ssyncadd.s32 $0xFFFFF400  }
0x18: {  	s20 =	simm.s32 $0x1;
	s21 =	simm.s32 $0x0;
	s19 =	simm.s32 $0x0;
	v0 =	vld [tilespmem:s2+$0x0]  }
.LBB2_2:
0x19: {  	p0 =	sne.s32 s20, $0xBF;
	s22 =	sshrl.u32 s21, $0x5  }
0x1a: {  	s21 =	smov.u32 s20;
	s22 =	smul.u32 $0x186A0, s22  }
.Ltmp0:
0x1b: {  	(pc) =	sbr.rel @p0 .LBB2_2-.Ltmp0, $4  }
0x1c: {  	_ = 	snop  }
0x1d: {  	v0 =	vadd.s32 s22, v0  }
0x1e: {  	[tilespmem:s19+$0x0] =	vst v0;
	s19 =	sadd.s32 $0x10, s19  }
0x1f: {  	s20 =	sadd.s32 $0x1, s20;
	v0 =	vld [tilespmem:s19+$0x0]  }
0x20: {  	_ = 	snop  }
0x21: {  	s20 =	sshrl.u32 s21, $0x5  }
0x22: {  	s20 =	smul.u32 $0x186A0, s20;
	_ =	sdelay $0x1  }
0x23: {  	v0 =	vadd.s32 s20, v0  }
0x24: {  	[tilespmem:s19+$0x0] =	vst v0;
	s19 =	simm.s32 $0x0  }
0x25: {  	[tilespmem:s14], [sflag:$0x2] =	stream.indirect.gather [hbm4b:s3+s14], $0x1, s19, s14, $0xb8;
	[tilespmem:$0x3280] =	vst v63  }
0x26: {  	_ =	swait.ge [sflag:s13], $0xC00  }
0x27: {  	[sflag:s13] =	ssyncset.done $0x0  }
0x28: {  	s20 =	simm.s32 $0x1800;
	[sflag:s13] =	ssyncadd.s32 $0xFFFFF400  }
0x29: {  	s21 =	simm.s32 $0x1;
	v0 =	vld [tilespmem:s20+$0x0]  }
.LBB2_4:
0x2a: {  	p0 =	sne.s32 s21, $0xBF;
	s22 =	sshrl.u32 s19, $0x5  }
0x2b: {  	s19 =	smov.u32 s21;
	s22 =	smul.u32 $0x186A0, s22  }
.Ltmp1:
0x2c: {  	(pc) =	sbr.rel @p0 .LBB2_4-.Ltmp1, $4  }
0x2d: {  	_ = 	snop  }
0x2e: {  	v0 =	vadd.s32 s22, v0  }
0x2f: {  	[tilespmem:s20+$0x0] =	vst v0;
	s20 =	sadd.s32 $0x10, s20  }
0x30: {  	s21 =	sadd.s32 $0x1, s21;
	v0 =	vld [tilespmem:s20+$0x0]  }
0x31: {  	_ = 	snop  }
0x32: {  	s19 =	sshrl.u32 s19, $0x5  }
0x33: {  	s19 =	smul.u32 $0x186A0, s19;
	_ =	sdelay $0x1  }
0x34: {  	v0 =	vadd.s32 s19, v0  }
0x35: {  	s29 =	simm.s32 $0x0;
	[tilespmem:s20+$0x0] =	vst v0  }
0x36: {  	[tilespmem:s15], [sflag:$0x2] =	stream.indirect.gather [hbm4b:s4+s14], $0x1, s10, s14, $0xb8;
	[tilespmem:$0x3280] =	vst v63  }
0x37: {  	s21 =	simm.s32 $0x10;
	s20 =	sand.u32 $0x180, s29;
	v0 =	vld [tilespmem:$0x3000];
	_ =	swait.ge [sflag:s16], $0xC00  }
0x38: {  	s19 =	sand.u32 $0x60, s29;
	s22 =	sor.u32 $0xC00, s20;
	[sflag:s16] =	ssyncset.done $0x0  }
0x39: {  	s21 =	sand.u32 $0x70, s21;
	s23 =	sor.u32 s19, s22;
	[sflag:s16] =	ssyncadd.s32 $0xFFFFF400  }
0x3a: {  	s30 =	sor.u32 $0xE00, s20;
	s22 =	sor.u32 s21, s22;
	v1 =	vld [tilespmem:s23+$0x0]  }
0x3b: {  	s31 =	sor.u32 s19, s30;
	v2 =	vld [tilespmem:s22+$0x0]  }
0x3c: {  	s24 =	sor.u32 $0x1000, s20;
	s23 =	sor.u32 s21, s30;
	v3 =	vld [tilespmem:s31+$0x0]  }
0x3d: {  	s25 =	sor.u32 s19, s24;
	v4 =	vld [tilespmem:s23+$0x0]  }
0x3e: {  	s26 =	sor.u32 $0x1200, s20;
	s22 =	sor.u32 s21, s24;
	v5 =	vld [tilespmem:s25+$0x0]  }
0x3f: {  	s28 =	sor.u32 s19, s26;
	v6 =	vld [tilespmem:s22+$0x0]  }
0x40: {  	s29 =	sor.u32 $0x1400, s20;
	v7 =	vld [tilespmem:s28+$0x0];
	s23 =	sor.u32 s21, s26;
	v1 =	vadd.f32 v1, v0;
	v2 =	vadd.f32 v2, v0  }
0x41: {  	s22 =	sor.u32 s21, s29;
	v8 =	vld [tilespmem:s23+$0x0]  }
0x42: {  	s20 =	sor.u32 $0x1600, s20;
	s30 =	sor.u32 s19, s29;
	v61 =	vld [tilespmem:s22+$0x0];
	v1 =	vadd.f32 v3, v1;
	v2 =	vadd.f32 v4, v2  }
0x43: {  	s19 =	sor.u32 s19, s20;
	v3 =	vld [tilespmem:s30+$0x0]  }
0x44: {  	s20 =	sor.u32 s21, s20;
	v62 =	vld [tilespmem:s19+$0x0];
	v1 =	vadd.f32 v5, v1;
	v2 =	vadd.f32 v6, v2  }
0x45: {  	v63 =	vld [tilespmem:s20+$0x0]  }
0x46: {  	v1 =	vadd.f32 v7, v1;
	v2 =	vadd.f32 v8, v2;
	_ =	sdelay $0x1  }
0x47: {  	s31 =	simm.s32 $0x20;
	v1 =	vadd.f32 v3, v1;
	v3 =	vadd.f32 v61, v2  }
0x48: {  	s25 =	simm.s32 $0x40;
	s20 =	sand.u32 $0x60, s31;
	s26 =	simm.s32 $0x30  }
0x49: {  	s21 =	sand.u32 $0x180, s31;
	s19 =	simm.s32 $0x30B0;
	s22 =	simm.s32 $0x3090;
	v2 =	vadd.f32 v62, v1;
	v1 =	vadd.f32 v63, v3  }
.LBB2_6:
0x4a: {  	s28 =	sand.u32 $0x60, s25  }
0x4b: {  	s29 =	sor.u32 $0xC00, s21;
	s26 =	sand.u32 $0x70, s26;
	[tilespmem:s22+$0xFFFFFFF0] =	vst v2;
	s24 =	smov.u32 s25  }
0x4c: {  	s23 =	sadd.s32 $0x20, s25;
	s30 =	sor.u32 s20, s29;
	s29 =	sor.u32 s26, s29;
	[tilespmem:s22+$0x0] =	vst v1  }
0x4d: {  	p0 =	sne.s32 s25, $0x1E0;
	s25 =	sor.u32 $0xE00, s21;
	s22 =	smov.u32 s19;
	v1 =	vld [tilespmem:s30+$0x0]  }
0x4e: {  	v2 =	vld [tilespmem:s29+$0x0];
	s29 =	sor.u32 s20, s25;
	s25 =	sor.u32 s26, s25  }
0x4f: {  	v3 =	vld [tilespmem:s29+$0x0];
	s29 =	sor.u32 $0x1000, s21  }
0x50: {  	v4 =	vld [tilespmem:s25+$0x0];
	s25 =	sor.u32 s20, s29;
	s29 =	sor.u32 s26, s29  }
0x51: {  	v5 =	vld [tilespmem:s25+$0x0];
	s25 =	sor.u32 $0x1200, s21  }
0x52: {  	v1 =	vadd.f32 v1, v0;
	v6 =	vld [tilespmem:s29+$0x0];
	s29 =	sor.u32 s20, s25;
	s25 =	sor.u32 s26, s25  }
0x53: {  	v2 =	vadd.f32 v2, v0;
	v7 =	vld [tilespmem:s29+$0x0];
	s29 =	sor.u32 $0x1400, s21  }
0x54: {  	v1 =	vadd.f32 v3, v1;
	v3 =	vld [tilespmem:s25+$0x0];
	s25 =	sor.u32 s20, s29;
	s29 =	sor.u32 s26, s29  }
0x55: {  	s21 =	sor.u32 $0x1600, s21;
	v2 =	vadd.f32 v4, v2;
	v4 =	vld [tilespmem:s25+$0x0]  }
0x56: {  	s25 =	sor.u32 s20, s21;
	s21 =	sor.u32 s26, s21;
	s20 =	smov.u32 s28;
	v1 =	vadd.f32 v5, v1;
	v5 =	vld [tilespmem:s29+$0x0]  }
0x57: {  	v2 =	vadd.f32 v6, v2;
	v6 =	vld [tilespmem:s25+$0x0]  }
0x58: {  	v1 =	vadd.f32 v7, v1;
	v7 =	vld [tilespmem:s21+$0x0]  }
.Ltmp2:
0x59: {  	v2 =	vadd.f32 v3, v2;
	(pc) =	sbr.rel @p0 .LBB2_6-.Ltmp2, $4  }
0x5a: {  	v1 =	vadd.f32 v4, v1  }
0x5b: {  	v3 =	vadd.f32 v5, v2  }
0x5c: {  	s19 =	sadd.s32 $0x20, s19;
	v2 =	vadd.f32 v6, v1  }
0x5d: {  	s26 =	sadd.s32 $0x10, s24;
	s25 =	smov.u32 s23;
	s21 =	sand.u32 $0x180, s24;
	v1 =	vadd.f32 v7, v3  }
0x5e: {  	s23 =	sor.u32 $0xC00, s21;
	[tilespmem:s22+$0xFFFFFFF0] =	vst v2  }
0x5f: {  	s24 =	sand.u32 $0x70, s26;
	s25 =	sor.u32 s20, s23;
	[tilespmem:s22+$0x0] =	vst v1  }
0x60: {  	s29 =	sor.u32 $0xE00, s21;
	s28 =	sor.u32 s24, s23;
	v1 =	vld [tilespmem:s25+$0x0]  }
0x61: {  	s30 =	sor.u32 s20, s29;
	v2 =	vld [tilespmem:s28+$0x0]  }
0x62: {  	s31 =	sor.u32 $0x1000, s21;
	s23 =	sor.u32 s24, s29;
	v3 =	vld [tilespmem:s30+$0x0]  }
0x63: {  	v4 =	vld [tilespmem:s23+$0x0];
	s25 =	sor.u32 s20, s31  }
0x64: {  	s26 =	sor.u32 $0x1200, s21;
	s22 =	sor.u32 s24, s31;
	v5 =	vld [tilespmem:s25+$0x0]  }
0x65: {  	v6 =	vld [tilespmem:s22+$0x0];
	s28 =	sor.u32 s20, s26;
	v1 =	vadd.f32 v1, v0  }
0x66: {  	s29 =	sor.u32 $0x1400, s21;
	s23 =	sor.u32 s24, s26;
	v0 =	vadd.f32 v2, v0;
	v2 =	vld [tilespmem:s28+$0x0]  }
0x67: {  	s30 =	sor.u32 s20, s29;
	v1 =	vadd.f32 v3, v1;
	v3 =	vld [tilespmem:s23+$0x0]  }
0x68: {  	s22 =	sor.u32 s24, s29;
	s31 =	sor.u32 $0x1600, s21;
	v54 =	vld [tilespmem:s30+$0x0];
	v0 =	vadd.f32 v4, v0  }
0x69: {  	v55 =	vld [tilespmem:s22+$0x0];
	s23 =	sor.u32 s20, s31;
	v1 =	vadd.f32 v5, v1  }
0x6a: {  	s21 =	sor.u32 s24, s31;
	v56 =	vld [tilespmem:s23+$0x0];
	v0 =	vadd.f32 v6, v0  }
0x6b: {  	v1 =	vadd.f32 v2, v1;
	v2 =	vld [tilespmem:s21+$0x0]  }
0x6c: {  	v0 =	vadd.f32 v3, v0  }
0x6d: {  	v1 =	vadd.f32 v54, v1  }
0x6e: {  	v0 =	vadd.f32 v55, v0  }
0x6f: {  	v1 =	vadd.f32 v56, v1  }
0x70: {  	v0 =	vadd.f32 v2, v0  }
0x71: {  	[tilespmem:s19+$0xFFFFFFF0] =	vst v1  }
0x72: {  	[tilespmem:s19+$0x0] =	vst v0  }
0x73: {  	_ =	swait.ge [sflag:s16], $0xC00  }
0x74: {  	s24 =	simm.s32 $0x0;
	s25 =	simm.s32 $0x10;
	[sflag:s16] =	ssyncset.done $0x0  }
0x75: {  	s22 =	sand.u32 $0x180, s24;
	s19 =	simm.s32 $0x3090;
	[sflag:s16] =	ssyncadd.s32 $0xFFFFF400  }
0x76: {  	s26 =	sor.u32 $0x2400, s22;
	s21 =	sand.u32 $0x70, s25;
	v0 =	vld [tilespmem:s19+$0xFFFFFFF0]  }
0x77: {  	s20 =	sand.u32 $0x60, s24;
	s28 =	sor.u32 s21, s26;
	v1 =	vld [tilespmem:s19+$0x0]  }
0x78: {  	s29 =	sor.u32 $0x2600, s22;
	s23 =	sor.u32 s20, s26;
	v2 =	vld [tilespmem:s28+$0x0]  }
0x79: {  	s30 =	sor.u32 s21, s29;
	v3 =	vld [tilespmem:s23+$0x0]  }
0x7a: {  	s31 =	sor.u32 $0x2800, s22;
	s24 =	sor.u32 s20, s29;
	v57 =	vld [tilespmem:s30+$0x0]  }
0x7b: {  	s25 =	sor.u32 s21, s31;
	v58 =	vld [tilespmem:s24+$0x0]  }
0x7c: {  	s26 =	sor.u32 $0x2A00, s22;
	s23 =	sor.u32 s20, s31;
	v59 =	vld [tilespmem:s25+$0x0]  }
0x7d: {  	s28 =	sor.u32 s21, s26;
	v7 =	vld [tilespmem:s23+$0x0]  }
0x7e: {  	s29 =	sor.u32 $0x2C00, s22;
	s24 =	sor.u32 s20, s26;
	v1 =	vadd.f32 v2, v1;
	v0 =	vadd.f32 v3, v0;
	v2 =	vld [tilespmem:s28+$0x0]  }
0x7f: {  	s30 =	sor.u32 s21, s29;
	v3 =	vld [tilespmem:s24+$0x0]  }
0x80: {  	s22 =	sor.u32 $0x2E00, s22;
	s23 =	sor.u32 s20, s29;
	v60 =	vld [tilespmem:s30+$0x0];
	v1 =	vadd.f32 v57, v1;
	v0 =	vadd.f32 v58, v0  }
0x81: {  	s21 =	sor.u32 s21, s22;
	v61 =	vld [tilespmem:s23+$0x0]  }
0x82: {  	s20 =	sor.u32 s20, s22;
	v62 =	vld [tilespmem:s21+$0x0];
	v1 =	vadd.f32 v59, v1;
	v0 =	vadd.f32 v7, v0  }
0x83: {  	v63 =	vld [tilespmem:s20+$0x0]  }
0x84: {  	v1 =	vadd.f32 v2, v1;
	v0 =	vadd.f32 v3, v0;
	_ =	sdelay $0x1  }
0x85: {  	v1 =	vadd.f32 v60, v1;
	v0 =	vadd.f32 v61, v0  }
0x86: {  	s31 =	simm.s32 $0x20;
	s25 =	simm.s32 $0x40;
	s26 =	simm.s32 $0x30  }
0x87: {  	s21 =	sand.u32 $0x60, s31;
	s22 =	sand.u32 $0x180, s31;
	s20 =	simm.s32 $0x30B0;
	v1 =	vadd.f32 v62, v1;
	v0 =	vadd.f32 v63, v0  }
.LBB2_8:
0x88: {  	s28 =	sand.u32 $0x60, s25  }
0x89: {  	v2 =	vld [tilespmem:s20+$0xFFFFFFF0];
	s29 =	sor.u32 $0x2400, s22;
	s26 =	sand.u32 $0x70, s26;
	[tilespmem:s19+$0x0] =	vst v1;
	s24 =	smov.u32 s25  }
0x8a: {  	s23 =	sadd.s32 $0x20, s25;
	v1 =	vld [tilespmem:s20+$0x0];
	s30 =	sor.u32 s21, s29;
	s29 =	sor.u32 s26, s29;
	[tilespmem:s19+$0xFFFFFFF0] =	vst v0  }
0x8b: {  	p0 =	sne.s32 s25, $0x1E0;
	s25 =	sor.u32 $0x2600, s22;
	s19 =	smov.u32 s20;
	v0 =	vld [tilespmem:s29+$0x0]  }
0x8c: {  	s29 =	sor.u32 s21, s25;
	s25 =	sor.u32 s26, s25;
	v3 =	vld [tilespmem:s30+$0x0]  }
0x8d: {  	v4 =	vld [tilespmem:s25+$0x0];
	s25 =	sor.u32 $0x2800, s22  }
0x8e: {  	v5 =	vld [tilespmem:s29+$0x0];
	s29 =	sor.u32 s21, s25;
	s25 =	sor.u32 s26, s25  }
0x8f: {  	v6 =	vld [tilespmem:s25+$0x0];
	s25 =	sor.u32 $0x2A00, s22  }
0x90: {  	v0 =	vadd.f32 v0, v1;
	v1 =	vld [tilespmem:s29+$0x0];
	s29 =	sor.u32 s21, s25;
	s25 =	sor.u32 s26, s25  }
0x91: {  	v2 =	vadd.f32 v3, v2;
	v3 =	vld [tilespmem:s25+$0x0];
	s25 =	sor.u32 $0x2C00, s22  }
0x92: {  	v0 =	vadd.f32 v4, v0;
	v4 =	vld [tilespmem:s29+$0x0];
	s29 =	sor.u32 s21, s25;
	s25 =	sor.u32 s26, s25  }
0x93: {  	s22 =	sor.u32 $0x2E00, s22;
	v2 =	vadd.f32 v5, v2;
	v5 =	vld [tilespmem:s25+$0x0]  }
0x94: {  	s25 =	sor.u32 s21, s22;
	s22 =	sor.u32 s26, s22;
	s21 =	smov.u32 s28;
	v0 =	vadd.f32 v6, v0;
	v6 =	vld [tilespmem:s29+$0x0]  }
0x95: {  	v1 =	vadd.f32 v1, v2;
	v2 =	vld [tilespmem:s22+$0x0]  }
0x96: {  	v0 =	vadd.f32 v3, v0;
	v3 =	vld [tilespmem:s25+$0x0]  }
.Ltmp3:
0x97: {  	v1 =	vadd.f32 v4, v1;
	(pc) =	sbr.rel @p0 .LBB2_8-.Ltmp3, $4  }
0x98: {  	v0 =	vadd.f32 v5, v0  }
0x99: {  	v4 =	vadd.f32 v6, v1  }
0x9a: {  	s20 =	sadd.s32 $0x20, s20;
	v1 =	vadd.f32 v2, v0  }
0x9b: {  	s26 =	sadd.s32 $0x10, s24;
	s22 =	sand.u32 $0x180, s24;
	s25 =	smov.u32 s23;
	v0 =	vadd.f32 v3, v4  }
0x9c: {  	v2 =	vld [tilespmem:s20+$0xFFFFFFF0];
	[tilespmem:s19+$0x0] =	vst v1;
	s23 =	sor.u32 $0x2400, s22;
	s24 =	sand.u32 $0x70, s26  }
0x9d: {  	v1 =	vld [tilespmem:s20+$0x0];
	s25 =	sor.u32 s24, s23;
	[tilespmem:s19+$0xFFFFFFF0] =	vst v0  }
0x9e: {  	s26 =	sor.u32 $0x2600, s22;
	s23 =	sor.u32 s21, s23;
	v0 =	vld [tilespmem:s25+$0x0]  }
0x9f: {  	s28 =	sor.u32 s24, s26;
	v3 =	vld [tilespmem:s23+$0x0]  }
0xa0: {  	s29 =	sor.u32 $0x2800, s22;
	s23 =	sor.u32 s21, s26;
	v4 =	vld [tilespmem:s28+$0x0]  }
0xa1: {  	s30 =	sor.u32 s24, s29;
	v5 =	vld [tilespmem:s23+$0x0]  }
0xa2: {  	s31 =	sor.u32 $0x2A00, s22;
	s19 =	sor.u32 s21, s29;
	v6 =	vld [tilespmem:s30+$0x0]  }
0xa3: {  	v57 =	vld [tilespmem:s19+$0x0];
	s25 =	sor.u32 s24, s31;
	v0 =	vadd.f32 v0, v1  }
0xa4: {  	s26 =	sor.u32 $0x2C00, s22;
	s23 =	sor.u32 s21, s31;
	v58 =	vld [tilespmem:s25+$0x0];
	v2 =	vadd.f32 v3, v2  }
0xa5: {  	s28 =	sor.u32 s24, s26;
	v59 =	vld [tilespmem:s23+$0x0];
	v0 =	vadd.f32 v4, v0  }
0xa6: {  	s29 =	sor.u32 $0x2E00, s22;
	s19 =	sor.u32 s21, s26;
	v60 =	vld [tilespmem:s28+$0x0];
	v2 =	vadd.f32 v5, v2  }
0xa7: {  	s30 =	sor.u32 s24, s29;
	v61 =	vld [tilespmem:s19+$0x0];
	v0 =	vadd.f32 v6, v0  }
0xa8: {  	s31 =	sor.u32 s21, s29;
	v62 =	vld [tilespmem:s30+$0x0];
	v1 =	vadd.f32 v57, v2  }
0xa9: {  	v63 =	vld [tilespmem:s31+$0x0];
	v0 =	vadd.f32 v58, v0  }
0xaa: {  	v1 =	vadd.f32 v59, v1  }
0xab: {  	v0 =	vadd.f32 v60, v0  }
0xac: {  	v1 =	vadd.f32 v61, v1  }
0xad: {  	v0 =	vadd.f32 v62, v0  }
0xae: {  	s18 =	sadd.s32 $0x1, s18;
	v1 =	vadd.f32 v63, v1  }
0xaf: {  	p0 =	sne.s32 s18, s9;
	[tilespmem:s20+$0x0] =	vst v0  }
.Ltmp4:
0xb0: {  	[tilespmem:s20+$0xFFFFFFF0] =	vst v1;
	(pc) =	sbr.rel @p0 .LBB2_1-.Ltmp4, $4  }
0xb1: {  	[hbm4b:s8+s2] =	stream.linear.scatter [tilespmem:s17], [sflag:$0x3], $0x200, $0x38;
	[tilespmem:$0x3280] =	vst v63  }
0xb2: {  	_ =	swait.ge [sflag:s12], $0x200  }
0xb3: {  	[sflag:s12] =	ssyncset.done $0x0  }
0xb4: {  	[sflag:s12] =	ssyncadd.s32 $0xFFFFFE00  }
0xb5: {  	_ =	sfence.sel $0x180000  }
0xb6: {  	[bflag:$0x0] =	sbarrier.arrive $0xFFFF  }
0xb7: {  	p0 =	sne.s32 s0, $0x0;
	_ =	strace $0x90000047  }
0xb8: {  	s0 =	sadd.s32 @!p0 $0x100000, s1;
	[bflag:$0x2] =	sbarrier.arrive $0xFFFF  }
0xb9: {  	[sflag:s0] =	ssyncadd.tile.s32 @!p0 $0x1;
	_ =	shalt  }
.Lfunc_end2:
_tile_overlayer_lowered:
.L_overlay_start_2:
0xba: {  	(tag) =	ssettag $0x2  }
0xbb: {  	s0 =	rddreg [dreg:$0x0];
	s2 =	stileid.u32  }
0xbc: {  	s1 =	rddreg [dreg:$0x1];
	p0 =	sne.s32 s2, $0x0  }
0xbd: {  	s3 =	rddreg [dreg:$0x2];
	[bflag:$0x3] =	sbarrier.arrive $0xFFFF;
	s2 =	simm.s32 @!p0 $0x1C03  }
0xbe: {  	[timem:s3], [sflag:s2] =	dma.local @!p0 [hbm:s0], s1  }
0xbf: {  	s0 =	simm.s32 @!p0 $0x3  }
0xc0: {  	_ =	swait.ge @!p0 [sflag:s0], s1  }
0xc1: {  	s1 =	ssub.s32 @!p0 $0x0, s1;
	[sflag:s0] =	ssyncset.done @!p0 $0x0  }
0xc2: {  	[sflag:s0] =	ssyncadd.s32 @!p0 s1  }
0xc3: {  	[bflag:$0x3] =	sbarrier.arrive $0xFFFF  }
0xc4: {  	_ =	shalt  }

// kernel: kernel.7.cloned.1.call-start
scs
__scs_entry_jumppad:
0x0: {  	(pc) =	sbr.rel $0x88, $3  }
0x1: {  	(tag) =	ssettag $0x0;
	lr =	simm.s32 $0x1  }
0x2: {  	[smem:$0x3F9E] =	sst lr;
	_ =	strace $0xD0000000  }
0x3: {  	_ = 	snop  }
0x4: {  	_ = 	snop  }
0x5: {  	_ = 	snop  }
0x6: {  	_ = 	snop  }
0x7: {  	_ = 	snop  }
__scs_overlays_trampoline_lowered:
0x8: {  	[smem:$0x3FAD] =	sst s0  }
0x9: {  	[smem:$0x3FAE] =	sst s1  }
0xa: {  	[smem:$0x3FAF] =	sst s2  }
0xb: {  	[smem:$0x3FB0] =	sst s3  }
0xc: {  	[smem:$0x3FB1] =	sst s4  }
0xd: {  	[smem:$0x3FB2] =	sst s5  }
0xe: {  	[smem:$0x3FB3] =	sst s6  }
0xf: {  	[smem:$0x3FB4] =	sst s7  }
0x10: {  	[smem:$0x3FB5] =	sst s8  }
0x11: {  	[smem:$0x3FB6] =	sst s9;
	s0 =	simm.s32 @!p0 $0x0  }
0x12: {  	s1 =	sld [smem:$0x3F9C];
	s0 =	simm.s32 @p0 $0x1  }
0x13: {  	[smem:$0x3FB7] =	sst s0;
	s0 =	simm.s32 @!p1 $0x0  }
0x14: {  	s2 =	sld [smem:$0x3F9B];
	s0 =	simm.s32 @p1 $0x1  }
0x15: {  	[smem:$0x3FB8] =	sst s0;
	s0 =	simm.s32 @!p2 $0x0  }
0x16: {  	s3 =	sld [smem:$0x3FDB];
	s0 =	simm.s32 @p2 $0x1  }
0x17: {  	s4 =	simm.s32 $0x1BF5;
	[smem:$0x3FBA] =	sst s0  }
0x18: {  	s0 =	sld [smem:$0x3F9D];
	_ =	swait.ge [sflag:s4], $0x0  }
0x19: {  	s7 =	sld [smem:$0x3F9E]  }
0x1a: {  	s8 =	sadd.s32 $0xFFFFE003, lr  }
0x1b: {  	s9 =	sadd.s32 $0xFFFFFEF7, lr;
	s5 =	simm.s32 $0xFFFFFFFF;
	p2 =	slt.u32 s8, $0xFFFFF086  }
0x1c: {  	p1 =	slt.u32 s9, $0xF7A;
	s5 =	simm.s32 @!p2 $0x0  }
0x1d: {  	s5 =	simm.s32 @p1 $0x1;
	p0 =	seq.s32 s7, s2  }
0x1e: {  	s7 =	smul.u32 @!p0 $0xF7A, s2;
	p2 =	seq.s32 @!p0 s5, $0x0  }
0x1f: {  	s9 =	smul.u32 $0xF7A, s1;
	s8 =	simm.s32 @!p0 $0x1BF5;
	p2 =	por !p2, p0  }
0x20: {  	[sflag:s8] =	ssyncset.s32 @!p0 $0xFFFFF086;
	s6 =	sadd.s32 @!p0 s3, s7;
	s7 =	simm.s32 @!p0 $0x108  }
0x21: {  	s3 =	sadd.s32 s3, s9;
	s6 =	sadd.s32 @!p0 $0x88, s6;
	s7 =	simm.s32 @p2 $0x1082  }
0x22: {  	[simem:s7], [sflag:s8] =	dma.local @!p0 [hbm:s6], $0xF7A  }
0x23: {  	s9 =	sor.u32 $0xD0000000, s2;
	s6 =	simm.s32 $0x108;
	_ =	swait.ge @!p0 [sflag:s8], $0x0  }
0x24: {  	s3 =	sadd.s32 $0x88, s3;
	s6 =	simm.s32 @!p1 $0x1082;
	[sflag:s4] =	ssyncset.s32 $0xFFFFF086  }
0x25: {  	[simem:s6], [sflag:s4] =	dma.local [hbm:s3], $0xF7A  }
0x26: {  	[smem:$0x3F9E] =	sst s1;
	(tag) =	ssettag s2;
	_ =	strace s9  }
0x27: {  	s1 =	sld [smem:$0x3FAE]  }
0x28: {  	s2 =	sld [smem:$0x3FAF]  }
0x29: {  	s4 =	sld [smem:$0x3FB1]  }
0x2a: {  	p0 =	seq.s32 s5, $0x0;
	s5 =	sld [smem:$0x3FB2]  }
0x2b: {  	s6 =	sld [smem:$0x3FB3]  }
0x2c: {  	s7 =	sld [smem:$0x3FB4]  }
0x2d: {  	s3 =	simm.s32 $0x108;
	s8 =	sld [smem:$0x3FB5]  }
0x2e: {  	s3 =	simm.s32 @!p0 $0x1082;
	s9 =	sld [smem:$0x3FB6]  }
0x2f: {  	lr =	sadd.s32 s0, s3;
	s0 =	sld [smem:$0x3FAD]  }
0x30: {  	s3 =	sld [smem:$0x3FB0]  }
0x31: {  	[smem:$0x3FB9] =	sst s10  }
0x32: {  	s10 =	sld [smem:$0x3FB7];
	_ =	sdelay $0x3  }
0x33: {  	p0 =	seq.s32 s10, $0x1;
	s10 =	sld [smem:$0x3FB9];
	_ =	sdelay $0x3  }
0x34: {  	[smem:$0x3FB9] =	sst s10  }
0x35: {  	s10 =	sld [smem:$0x3FB8];
	_ =	sdelay $0x3  }
0x36: {  	p1 =	seq.s32 s10, $0x1;
	s10 =	sld [smem:$0x3FB9];
	_ =	sdelay $0x3  }
0x37: {  	[smem:$0x3FB9] =	sst s10  }
0x38: {  	s10 =	sld [smem:$0x3FBA]  }
0x39: {  	_ = 	snop;
	(pc) =	sbr.ind lr, $3  }
0x3a: {  	_ = 	snop  }
0x3b: {  	_ = 	snop  }
0x3c: {  	p2 =	seq.s32 s10, $0x1;
	s10 =	sld [smem:$0x3FB9]  }
0x3d: {  	_ =	shalt  }
0x3e: {  	_ =	shalt  }
0x3f: {  	_ =	shalt  }
0x40: {  	_ =	shalt  }
0x41: {  	_ =	shalt  }
0x42: {  	_ =	shalt  }
0x43: {  	_ =	shalt  }
0x44: {  	_ =	shalt  }
0x45: {  	_ =	shalt  }
0x46: {  	_ =	shalt  }
0x47: {  	_ =	shalt  }
0x48: {  	_ =	shalt  }
0x49: {  	_ =	shalt  }
0x4a: {  	_ =	shalt  }
0x4b: {  	_ =	shalt  }
0x4c: {  	_ =	shalt  }
0x4d: {  	_ =	shalt  }
0x4e: {  	_ =	shalt  }
0x4f: {  	_ =	shalt  }
0x50: {  	_ =	shalt  }
0x51: {  	_ =	shalt  }
0x52: {  	_ =	shalt  }
0x53: {  	_ =	shalt  }
0x54: {  	_ =	shalt  }
0x55: {  	_ =	shalt  }
0x56: {  	_ =	shalt  }
0x57: {  	_ =	shalt  }
0x58: {  	_ =	shalt  }
0x59: {  	_ =	shalt  }
0x5a: {  	_ =	shalt  }
0x5b: {  	_ =	shalt  }
0x5c: {  	_ =	shalt  }
0x5d: {  	_ =	shalt  }
0x5e: {  	_ =	shalt  }
0x5f: {  	_ =	shalt  }
0x60: {  	_ =	shalt  }
0x61: {  	_ =	shalt  }
0x62: {  	_ =	shalt  }
0x63: {  	_ =	shalt  }
0x64: {  	_ =	shalt  }
0x65: {  	_ =	shalt  }
0x66: {  	_ =	shalt  }
0x67: {  	_ =	shalt  }
0x68: {  	_ =	shalt  }
0x69: {  	_ =	shalt  }
0x6a: {  	_ =	shalt  }
0x6b: {  	_ =	shalt  }
0x6c: {  	_ =	shalt  }
0x6d: {  	_ =	shalt  }
0x6e: {  	_ =	shalt  }
0x6f: {  	_ =	shalt  }
0x70: {  	_ =	shalt  }
0x71: {  	_ =	shalt  }
0x72: {  	_ =	shalt  }
0x73: {  	_ =	shalt  }
0x74: {  	_ =	shalt  }
0x75: {  	_ =	shalt  }
0x76: {  	_ =	shalt  }
0x77: {  	_ =	shalt  }
0x78: {  	_ =	shalt  }
0x79: {  	_ =	shalt  }
0x7a: {  	_ =	shalt  }
0x7b: {  	_ =	shalt  }
0x7c: {  	_ =	shalt  }
0x7d: {  	_ =	shalt  }
0x7e: {  	_ =	shalt  }
0x7f: {  	_ =	shalt  }
0x80: {  	_ =	shalt  }
0x81: {  	_ =	shalt  }
0x82: {  	_ =	shalt  }
0x83: {  	_ =	shalt  }
0x84: {  	_ =	shalt  }
0x85: {  	_ =	shalt  }
0x86: {  	_ =	shalt  }
0x87: {  	_ =	shalt  }
.Lfunc_end0:
.L_simem_size_0:
called_computation.1_lowered:
.L_overlay_start_0:
0x88: {  	s2 =	sld [smem:$0x3FD9]  }
0x89: {  	s3 =	sld [smem:$0x3FFE];
	_ =	sdelay $0x1  }
0x8a: {  	s1 =	srdreg.scid  }
0x8b: {  	s0 =	sand.u32 $0x1, s1  }
0x8c: {  	s17 =	sshll.u32 s0, $0xA;
	s2 =	sadd.s32 s3, s2  }
0x8d: {  	s2 =	sadd.s32 s2, s17  }
0x8e: {  	[smem:$0x3FC5] =	sst s2  }
0x8f: {  	_ = 	snop  }
0x90: {  	s2 =	sld [smem:$0x3FD0];
	(tm) =	ssettm $0x1  }
0x91: {  	s18 =	sld [smem:$0x3FFB];
	_ =	sdelay $0x3  }
0x92: {  	_ =	strace s18  }
0x93: {  	s3 =	sld [smem:$0x3FFC];
	_ =	sdelay $0x3  }
0x94: {  	_ =	strace s3  }
0x95: {  	s3 =	sld [smem:$0x3FFD];
	_ =	sdelay $0x3  }
0x96: {  	_ =	strace s3  }
0x97: {  	_ =	strace $0x8FFFFFFF  }
0x98: {  	s19 =	sld [smem:$0x3FDB];
	_ =	sdelay $0x1  }
0x99: {  	s4 =	simm.s32 $_scs_section_size  }
0x9a: {  	s5 =	simm.s32 $_size__tile_overlayer_lowered;
	s6 =	simm.s32 $_tile_overlayer_lowered  }
0x9b: {  	s22 =	simm.s32 $0x1BFF;
	s21 =	sshll.u32 s6, $0x1;
	s3 =	sadd.s32 s4, s19  }
0x9c: {  	s7 =	simm.s32 $0x0;
	s20 =	sshll.u32 s5, $0x1;
	s5 =	sadd.s32 s21, s3  }
0x9d: {  	[timem:s7], [sflag:s22] =	dma.local [hbm:s5], s20  }
0x9e: {  	_ =	swait.ge [sflag:s22], s20  }
0x9f: {  	s4 =	ssub.s32 $0x0, s20;
	[sflag:s22] =	ssyncset.done $0x0  }
0xa0: {  	[sflag:s22] =	ssyncadd.s32 s4;
	_ =	sdelay $0x1  }
0xa1: {  	s23 =	simm.s32 $0x1B8B  }
0xa2: {  	_ =	swait.ge [sflag:s23], $0x1  }
0xa3: {  	[sflag:s23] =	ssyncset.done $0x0  }
0xa4: {  	s25 =	simm.s32 $0x1B8E;
	s24 =	sld [smem:$0x3FFE];
	[sflag:s23] =	ssyncadd.s32 $0xFFFFFFFF  }
0xa5: {  	s26 =	simm.s32 $execute0_lowered;
	[smem:$0x3FD2] =	sst s25  }
0xa6: {  	s5 =	sshll.u32 s26, $0x1;
	_ =	strace $0x80000049;
	[dreg:$0x1] =	wrdreg $0xFFFFFFFF  }
0xa7: {  	s28 =	simm.s32 $_size_execute0_lowered;
	s3 =	sadd.s32 s3, s5;
	[dreg:$0x0] =	wrdreg $0x0  }
0xa8: {  	s5 =	sshll.u32 s28, $0x1;
	[dreg:$0x2] =	wrdreg s3  }
0xa9: {  	[dreg:$0x3] =	wrdreg s5  }
0xaa: {  	[dreg:$0x4] =	wrdreg $0xC0  }
0xab: {  	_ =	task [dreg:s7], $0x5FFFF  }
0xac: {  	[dreg:$0x1] =	wrdreg $0xFFFFFFFF  }
0xad: {  	[dreg:$0x0] =	wrdreg $0x60  }
0xae: {  	[dreg:$0x2] =	wrdreg s24  }
0xaf: {  	[dreg:$0x3] =	wrdreg s2  }
0xb0: {  	[dreg:$0x4] =	wrdreg $0x9  }
0xb1: {  	_ =	task.clear_ibuf [dreg:s7], $0x5FFFF;
	_ =	strace $0x90000049  }
0xb2: {  	s29 =	simm.s32 $0x9;
	_ =	strace $0x8000004B  }
0xb3: {  	_ =	swait.ge [sflag:s29], $0x1  }
0xb4: {  	[sflag:s29] =	ssyncadd.s32 $0xFFFFFFFF  }
0xb5: {  	_ =	strace $0x9000004B  }
0xb6: {  	_ =	sfence  }
0xb7: {  	s30 =	sld [smem:$0x0];
	_ =	sdelay $0x2  }
0xb8: {  	s31 =	sshll.u32 s1, $0xD;
	s1 =	sshrl.u32 s1, $0x2  }
0xb9: {  	s3 =	sand.u32 $0x4000, s31;
	s1 =	sadd.s32 s1, s30  }
0xba: {  	s0 =	sor.u32 s3, s0;
	s1 =	sshll.u32 s1, $0x11  }
0xbb: {  	s0 =	sor.u32 s1, s0  }
0xbc: {  	s0 =	sadd.s32 $0x8F2B, s0  }
0xbd: {  	[sflag:s0] =	ssyncadd.remote.s32 $0x1  }
0xbe: {  	_ =	sfence.sel $0xFFFF  }
0xbf: {  	[dreg:$0x0] =	wrdreg $0xFFFFFFFF;
	(pc) =	sbr.abs _section_cstart, $3  }
0xc0: {  	[dreg:$0x1] =	wrdreg $0xFFFFFFFF  }
0xc1: {  	_ =	task.clear_ibuf [dreg:s7], $0x2FFFF;
	_ =	strace $0x9FFFFFFF  }
0xc2: {  	(tm) =	ssettm $0x7FFFFFFF  }
0xc3: {  	_ =	shalt  }
tec
execute0_lowered:
.L_overlay_start_1:
0x0: {  	(tag) =	ssettag $0x1  }
0x1: {  	s0 =	srdreg.scid  }
0x2: {  	s1 =	stileid.u32;
	s3 =	rddreg [dreg:$0x0]  }
0x3: {  	s8 =	rddreg [dreg:$0x1];
	s2 =	simm.s32 $0x0;
	s11 =	simm.s32 $0x1  }
0x4: {  	s16 =	simm.s32 $0x3;
	s0 =	sand.u32 $0x1, s0;
	s1 =	sshll.u32 s1, $0x1  }
0x5: {  	s17 =	simm.s32 $0x2;
	s18 =	simm.s32 $0x0;
	s1 =	sor.u32 s0, s1  }
0x6: {  	[smem:$0x7FF] =	sst s2;
	s28 =	sadd.s32 $0x4C600, s3;
	s4 =	smul.u32 $0x3400, s1  }
0x7: {  	s29 =	sadd.s32 $0x33E00, s3;
	_ =	strace $0x8000004A;
	[dreg:$0x3] =	wrdreg s28  }
0x8: {  	s0 =	ssub.s32 $0x2, s0;
	[dreg:$0x4] =	wrdreg s29;
	s4 =	sshrl.u32 s4, $0x3  }
0x9: {  	s1 =	sshll.u32 s1, $0x6;
	s5 =	sshrl.u32 s0, $0x1;
	s6 =	sadd.s32 s4, s3  }
0xa: {  	s0 =	ssub.s32 s0, s5;
	s8 =	sadd.s32 s8, s1;
	s30 =	sadd.s32 $0x26700, s6  }
0xb: {  	s3 =	sadd.s32 s1, s3;
	s31 =	sadd.s32 $0x26880, s6;
	[dreg:$0x5] =	wrdreg s30  }
0xc: {  	s5 =	simm.s32 $0x3800;
	s3 =	sadd.s32 $0x33600, s3;
	[dreg:$0x6] =	wrdreg s31  }
0xd: {  	s9 =	smax.u32 s0, $0x1;
	s4 =	simm.s32 $0x1800;
	[dreg:$0x7] =	wrdreg s3  }
.LBB2_1:
0xe: {  	s0 =	rddreg [dreg:$0x5]  }
0xf: {  	[tilespmem:s2], [sflag:$0x1] =	stream.linear.gather [hbm4b:s0+s2], $0xC00, $0x38;
	[tilespmem:$0x3A00] =	vst v63  }
0x10: {  	s31 =	rddreg [dreg:$0x6]  }
0x11: {  	[tilespmem:s4], [sflag:$0x1] =	stream.linear.gather [hbm4b:s31+s2], $0x1000, $0x38;
	[tilespmem:$0x3A00] =	vst v63  }
0x12: {  	_ =	swait.ge [sflag:s11], $0xC00  }
0x13: {  	[sflag:s11] =	ssyncset.done $0x0  }
0x14: {  	[sflag:s11] =	ssyncadd.s32 $0xFFFFF400  }
0x15: {  	s1 =	simm.s32 $0x1;
	s3 =	simm.s32 $0x0;
	s0 =	simm.s32 $0x0;
	v0 =	vld [tilespmem:s2+$0x0]  }
.LBB2_2:
0x16: {  	p0 =	sne.s32 s1, $0xBF;
	s12 =	sshrl.u32 s3, $0x5  }
0x17: {  	s3 =	smov.u32 s1;
	s12 =	smul.u32 $0x186A0, s12  }
.Ltmp0:
0x18: {  	(pc) =	sbr.rel @p0 .LBB2_2-.Ltmp0, $4  }
0x19: {  	_ = 	snop  }
0x1a: {  	v0 =	vadd.s32 s12, v0  }
0x1b: {  	[tilespmem:s0+$0x0] =	vst v0;
	s0 =	sadd.s32 $0x10, s0  }
0x1c: {  	s1 =	sadd.s32 $0x1, s1;
	v0 =	vld [tilespmem:s0+$0x0]  }
0x1d: {  	_ = 	snop  }
0x1e: {  	s1 =	sshrl.u32 s3, $0x5  }
0x1f: {  	s1 =	smul.u32 $0x186A0, s1;
	_ =	sdelay $0x1  }
0x20: {  	v0 =	vadd.s32 s1, v0  }
0x21: {  	s30 =	rddreg [dreg:$0x3];
	s31 =	simm.s32 $0xC00;
	[tilespmem:s0+$0x0] =	vst v0;
	s0 =	simm.s32 $0x0  }
0x22: {  	[tilespmem:s31], [sflag:$0x2] =	stream.indirect.gather [hbm4b:s30+s31], $0x1, s0, s31, $0xb8;
	[tilespmem:$0x3A00] =	vst v63  }
0x23: {  	_ =	swait.ge [sflag:s11], $0x1000  }
0x24: {  	[sflag:s11] =	ssyncset.done $0x0  }
0x25: {  	s1 =	simm.s32 $0x1800;
	[sflag:s11] =	ssyncadd.s32 $0xFFFFF000  }
0x26: {  	s3 =	simm.s32 $0x1;
	v0 =	vld [tilespmem:s1+$0x0]  }
.LBB2_4:
0x27: {  	p0 =	sne.s32 s3, $0xFF;
	s12 =	sshrl.u32 s0, $0x5;
	s0 =	smov.u32 s3  }
0x28: {  	s12 =	smul.u32 $0x186A0, s12  }
.Ltmp1:
0x29: {  	(pc) =	sbr.rel @p0 .LBB2_4-.Ltmp1, $4  }
0x2a: {  	s12 =	sadd.s32 $0x300, s12  }
0x2b: {  	v0 =	vadd.s32 s12, v0  }
0x2c: {  	[tilespmem:s1+$0x0] =	vst v0;
	s1 =	sadd.s32 $0x10, s1  }
0x2d: {  	s3 =	sadd.s32 $0x1, s3;
	v0 =	vld [tilespmem:s1+$0x0]  }
0x2e: {  	s0 =	sshrl.u32 s0, $0x5  }
0x2f: {  	s0 =	smul.u32 $0x186A0, s0;
	_ =	sdelay $0x1  }
0x30: {  	s0 =	sadd.s32 $0x300, s0  }
0x31: {  	v0 =	vadd.s32 s0, v0  }
0x32: {  	s13 =	rddreg [dreg:$0x4];
	s14 =	simm.s32 $0x1000;
	s3 =	simm.s32 $0x2800;
	[tilespmem:s1+$0x0] =	vst v0  }
0x33: {  	[tilespmem:s3], [sflag:$0x2] =	stream.indirect.gather [hbm4b:s13+s14], $0x1, s4, s14, $0xb8;
	[tilespmem:$0x3A00] =	vst v63  }
0x34: {  	s15 =	simm.s32 $0x0;
	s19 =	rddreg [dreg:$0x7]  }
0x35: {  	[tilespmem:s5], [sflag:$0x3] =	stream.linear.gather [hbm4b:s19+s15], $0x200, $0x38;
	[tilespmem:$0x3A00] =	vst v63  }
0x36: {  	_ =	swait.ge [sflag:s16], $0x200  }
0x37: {  	[sflag:s16] =	ssyncset.done $0x0  }
0x38: {  	[sflag:s16] =	ssyncadd.s32 $0xFFFFFE00  }
0x39: {  	_ =	swait.ge [sflag:s17], $0xC00  }
0x3a: {  	s20 =	simm.s32 $0x10;
	[sflag:s17] =	ssyncset.done $0x0  }
0x3b: {  	s21 =	sand.u32 $0x180, s15;
	s19 =	simm.s32 $0x3810;
	[sflag:s17] =	ssyncadd.s32 $0xFFFFF400  }
0x3c: {  	s12 =	sor.u32 $0xC00, s21;
	s1 =	sand.u32 $0x70, s20;
	v0 =	vld [tilespmem:s19+$0xFFFFFFF0]  }
0x3d: {  	s0 =	sand.u32 $0x60, s15;
	s13 =	sor.u32 s1, s12;
	v1 =	vld [tilespmem:s19+$0x0]  }
0x3e: {  	s22 =	sor.u32 $0xE00, s21;
	s12 =	sor.u32 s0, s12;
	v2 =	vld [tilespmem:s13+$0x0]  }
0x3f: {  	s23 =	sor.u32 s1, s22;
	v3 =	vld [tilespmem:s12+$0x0]  }
0x40: {  	s24 =	sor.u32 $0x1000, s21;
	s13 =	sor.u32 s0, s22;
	v4 =	vld [tilespmem:s23+$0x0]  }
0x41: {  	s25 =	sor.u32 s1, s24;
	v5 =	vld [tilespmem:s13+$0x0]  }
0x42: {  	s26 =	sor.u32 $0x1200, s21;
	s12 =	sor.u32 s0, s24;
	v6 =	vld [tilespmem:s25+$0x0]  }
0x43: {  	s28 =	sor.u32 s1, s26;
	v7 =	vld [tilespmem:s12+$0x0]  }
0x44: {  	s29 =	sor.u32 $0x1400, s21;
	s13 =	sor.u32 s0, s26;
	v1 =	vadd.f32 v2, v1;
	v0 =	vadd.f32 v3, v0;
	v2 =	vld [tilespmem:s28+$0x0]  }
0x45: {  	s30 =	sor.u32 s1, s29;
	v3 =	vld [tilespmem:s13+$0x0]  }
0x46: {  	s3 =	sor.u32 $0x1600, s21;
	v60 =	vld [tilespmem:s30+$0x0];
	s12 =	sor.u32 s0, s29;
	v1 =	vadd.f32 v4, v1;
	v0 =	vadd.f32 v5, v0  }
0x47: {  	s1 =	sor.u32 s1, s3;
	v61 =	vld [tilespmem:s12+$0x0]  }
0x48: {  	v62 =	vld [tilespmem:s1+$0x0];
	s0 =	sor.u32 s0, s3;
	v1 =	vadd.f32 v6, v1;
	v0 =	vadd.f32 v7, v0  }
0x49: {  	v63 =	vld [tilespmem:s0+$0x0]  }
0x4a: {  	v1 =	vadd.f32 v2, v1;
	v0 =	vadd.f32 v3, v0;
	_ =	sdelay $0x1  }
0x4b: {  	s31 =	simm.s32 $0x20;
	v1 =	vadd.f32 v60, v1;
	v0 =	vadd.f32 v61, v0  }
0x4c: {  	s20 =	simm.s32 $0x3830;
	s21 =	sand.u32 $0x60, s31  }
0x4d: {  	s22 =	sand.u32 $0x180, s31;
	s3 =	simm.s32 $0x40;
	s12 =	simm.s32 $0x30;
	v1 =	vadd.f32 v62, v1;
	v0 =	vadd.f32 v63, v0  }
.LBB2_6:
0x4e: {  	s13 =	sand.u32 $0x60, s3  }
0x4f: {  	v2 =	vld [tilespmem:s20+$0xFFFFFFF0];
	s14 =	sor.u32 $0xC00, s22;
	s12 =	sand.u32 $0x70, s12;
	[tilespmem:s19+$0x0] =	vst v1;
	s1 =	smov.u32 s3  }
0x50: {  	s0 =	sadd.s32 $0x20, s3;
	v1 =	vld [tilespmem:s20+$0x0];
	s23 =	sor.u32 s21, s14;
	s14 =	sor.u32 s12, s14;
	[tilespmem:s19+$0xFFFFFFF0] =	vst v0  }
0x51: {  	p0 =	sne.s32 s3, $0x1E0;
	s3 =	sor.u32 $0xE00, s22;
	s19 =	smov.u32 s20;
	v0 =	vld [tilespmem:s14+$0x0]  }
0x52: {  	s14 =	sor.u32 s21, s3;
	s3 =	sor.u32 s12, s3;
	v3 =	vld [tilespmem:s23+$0x0]  }
0x53: {  	v4 =	vld [tilespmem:s3+$0x0];
	s3 =	sor.u32 $0x1000, s22  }
0x54: {  	v5 =	vld [tilespmem:s14+$0x0];
	s14 =	sor.u32 s21, s3;
	s3 =	sor.u32 s12, s3  }
0x55: {  	v6 =	vld [tilespmem:s3+$0x0];
	s3 =	sor.u32 $0x1200, s22  }
0x56: {  	v0 =	vadd.f32 v0, v1;
	v1 =	vld [tilespmem:s14+$0x0];
	s14 =	sor.u32 s21, s3;
	s3 =	sor.u32 s12, s3  }
0x57: {  	v2 =	vadd.f32 v3, v2;
	v3 =	vld [tilespmem:s3+$0x0];
	s3 =	sor.u32 $0x1400, s22  }
0x58: {  	v0 =	vadd.f32 v4, v0;
	v4 =	vld [tilespmem:s14+$0x0];
	s14 =	sor.u32 s21, s3;
	s3 =	sor.u32 s12, s3  }
0x59: {  	v2 =	vadd.f32 v5, v2;
	v5 =	vld [tilespmem:s3+$0x0];
	s3 =	sor.u32 $0x1600, s22  }
0x5a: {  	v0 =	vadd.f32 v6, v0;
	v6 =	vld [tilespmem:s14+$0x0];
	s14 =	sor.u32 s21, s3;
	s3 =	sor.u32 s12, s3;
	s21 =	smov.u32 s13  }
0x5b: {  	v1 =	vadd.f32 v1, v2;
	v2 =	vld [tilespmem:s3+$0x0]  }
0x5c: {  	v0 =	vadd.f32 v3, v0;
	v3 =	vld [tilespmem:s14+$0x0]  }
.Ltmp2:
0x5d: {  	v1 =	vadd.f32 v4, v1;
	(pc) =	sbr.rel @p0 .LBB2_6-.Ltmp2, $4  }
0x5e: {  	v0 =	vadd.f32 v5, v0  }
0x5f: {  	v4 =	vadd.f32 v6, v1  }
0x60: {  	s20 =	sadd.s32 $0x20, s20;
	v1 =	vadd.f32 v2, v0  }
0x61: {  	s22 =	sand.u32 $0x180, s1;
	s12 =	sadd.s32 $0x10, s1;
	s3 =	smov.u32 s0;
	v0 =	vadd.f32 v3, v4  }
0x62: {  	v2 =	vld [tilespmem:s20+$0xFFFFFFF0];
	[tilespmem:s19+$0x0] =	vst v1;
	s0 =	sor.u32 $0xC00, s22;
	s1 =	sand.u32 $0x70, s12  }
0x63: {  	v1 =	vld [tilespmem:s20+$0x0];
	s3 =	sor.u32 s1, s0;
	[tilespmem:s19+$0xFFFFFFF0] =	vst v0  }
0x64: {  	s24 =	sor.u32 $0xE00, s22;
	s0 =	sor.u32 s21, s0;
	v0 =	vld [tilespmem:s3+$0x0]  }
0x65: {  	s25 =	sor.u32 s1, s24;
	v3 =	vld [tilespmem:s0+$0x0]  }
0x66: {  	s26 =	sor.u32 $0x1000, s22;
	s3 =	sor.u32 s21, s24;
	v4 =	vld [tilespmem:s25+$0x0]  }
0x67: {  	s29 =	sor.u32 s1, s26;
	v5 =	vld [tilespmem:s3+$0x0]  }
0x68: {  	s4 =	sor.u32 $0x1200, s22;
	s0 =	sor.u32 s21, s26;
	v6 =	vld [tilespmem:s29+$0x0]  }
0x69: {  	s5 =	sor.u32 s1, s4;
	v0 =	vadd.f32 v0, v1;
	v1 =	vld [tilespmem:s0+$0x0]  }
0x6a: {  	s6 =	sor.u32 $0x1400, s22;
	s3 =	sor.u32 s21, s4;
	v2 =	vadd.f32 v3, v2;
	v3 =	vld [tilespmem:s5+$0x0]  }
0x6b: {  	s7 =	sor.u32 s1, s6;
	v0 =	vadd.f32 v4, v0;
	v4 =	vld [tilespmem:s3+$0x0]  }
0x6c: {  	s10 =	sor.u32 $0x1600, s22;
	s0 =	sor.u32 s21, s6;
	v2 =	vadd.f32 v5, v2;
	v5 =	vld [tilespmem:s7+$0x0]  }
0x6d: {  	s12 =	sor.u32 s1, s10;
	v0 =	vadd.f32 v6, v0;
	v6 =	vld [tilespmem:s0+$0x0]  }
0x6e: {  	s13 =	sor.u32 s21, s10;
	v1 =	vadd.f32 v1, v2;
	v2 =	vld [tilespmem:s12+$0x0]  }
0x6f: {  	v0 =	vadd.f32 v3, v0;
	v3 =	vld [tilespmem:s13+$0x0]  }
0x70: {  	v1 =	vadd.f32 v4, v1  }
0x71: {  	v0 =	vadd.f32 v5, v0  }
0x72: {  	v1 =	vadd.f32 v6, v1  }
0x73: {  	v0 =	vadd.f32 v2, v0  }
0x74: {  	v1 =	vadd.f32 v3, v1  }
0x75: {  	s14 =	simm.s32 $0x0;
	[tilespmem:s20+$0x0] =	vst v0  }
0x76: {  	s15 =	simm.s32 $0x10;
	s19 =	sand.u32 $0x180, s14;
	[tilespmem:s20+$0xFFFFFFF0] =	vst v1  }
0x77: {  	s25 =	sor.u32 $0x3600, s19;
	s29 =	sor.u32 $0x2E00, s19;
	_ =	swait.ge [sflag:s17], $0x1000  }
0x78: {  	s26 =	simm.s32 $0x40;
	s30 =	sor.u32 $0x3000, s19;
	[sflag:s17] =	ssyncset.done $0x0  }
0x79: {  	s4 =	sor.u32 $0x2800, s19;
	s20 =	simm.s32 $0x3810;
	[sflag:s17] =	ssyncadd.s32 $0xFFFFF000  }
0x7a: {  	s21 =	simm.s32 $0x20;
	s5 =	sor.u32 $0x3400, s19;
	s0 =	sand.u32 $0x60, s14;
	v1 =	vld [tilespmem:s20+$0xFFFFFFF0]  }
0x7b: {  	s6 =	sor.u32 $0x2C00, s19;
	s24 =	sor.u32 s0, s4;
	s13 =	sand.u32 $0x70, s15;
	v0 =	vld [tilespmem:s20+$0x0]  }
0x7c: {  	s3 =	sor.u32 $0x3200, s19;
	s14 =	sor.u32 $0x2A00, s19;
	s7 =	sor.u32 s13, s4;
	v6 =	vld [tilespmem:s24+$0x0]  }
0x7d: {  	s22 =	sor.u32 s0, s5;
	s10 =	sor.u32 s0, s14;
	s1 =	sor.u32 s0, s30;
	v5 =	vld [tilespmem:s7+$0x0]  }
0x7e: {  	s31 =	sor.u32 s0, s3;
	s15 =	sor.u32 s0, s6;
	s14 =	sor.u32 s13, s14;
	v4 =	vld [tilespmem:s10+$0x0]  }
0x7f: {  	s23 =	sor.u32 s13, s5;
	s28 =	sor.u32 s13, s29;
	s12 =	sor.u32 s13, s30;
	v2 =	vld [tilespmem:s14+$0x0]  }
0x80: {  	s19 =	sor.u32 s13, s6;
	s30 =	sor.u32 s13, s3;
	s24 =	sor.u32 s0, s25;
	v3 =	vld [tilespmem:s15+$0x0]  }
0x81: {  	s25 =	sor.u32 s13, s25;
	s0 =	sor.u32 s0, s29;
	v6 =	vadd.f32 v6, v1;
	v1 =	vld [tilespmem:s19+$0x0];
	s19 =	simm.s32 $0x3830  }
.LBB2_8:
0x82: {  	s13 =	sadd.s32 $0x10, s21  }
0x83: {  	s4 =	sand.u32 $0x180, s21;
	s29 =	sand.u32 $0x60, s21;
	v0 =	vadd.f32 v5, v0;
	v5 =	vld [tilespmem:s0+$0x0];
	s21 =	smov.u32 s26  }
0x84: {  	s3 =	sor.u32 $0x2800, s4;
	s0 =	sand.u32 $0x70, s13;
	s10 =	sor.u32 $0x3400, s4;
	v4 =	vadd.f32 v4, v6;
	v6 =	vld [tilespmem:s28+$0x0]  }
0x85: {  	s28 =	sor.u32 $0x2A00, s4;
	s13 =	sor.u32 $0x2C00, s4;
	s5 =	sor.u32 $0x3600, s4;
	v0 =	vadd.f32 v2, v0;
	v2 =	vld [tilespmem:s1+$0x0]  }
0x86: {  	s14 =	sor.u32 $0x2E00, s4;
	s1 =	sor.u32 s29, s10;
	s10 =	sor.u32 s0, s10;
	v3 =	vadd.f32 v3, v4;
	v4 =	vld [tilespmem:s12+$0x0]  }
0x87: {  	s6 =	sor.u32 s0, s3;
	s15 =	sor.u32 s29, s28;
	s12 =	sor.u32 s29, s5;
	v0 =	vadd.f32 v1, v0;
	v1 =	vld [tilespmem:s31+$0x0]  }
0x88: {  	s7 =	sor.u32 s0, s28;
	s28 =	sor.u32 s0, s14;
	s5 =	sor.u32 s0, s5;
	v3 =	vadd.f32 v5, v3;
	v5 =	vld [tilespmem:s30+$0x0]  }
0x89: {  	p0 =	sne.s32 s26, $0x1E0;
	s26 =	sadd.s32 $0x20, s26;
	v0 =	vadd.f32 v6, v0;
	v6 =	vld [tilespmem:s22+$0x0];
	s22 =	smov.u32 s1  }
0x8a: {  	v2 =	vadd.f32 v2, v3;
	v3 =	vld [tilespmem:s23+$0x0];
	s23 =	smov.u32 s10  }
0x8b: {  	s10 =	sor.u32 $0x3000, s4;
	v0 =	vadd.f32 v4, v0;
	v4 =	vld [tilespmem:s24+$0x0];
	s24 =	smov.u32 s12  }
0x8c: {  	s1 =	sor.u32 s29, s10;
	v1 =	vadd.f32 v1, v2;
	v2 =	vld [tilespmem:s25+$0x0];
	s25 =	smov.u32 s5  }
0x8d: {  	s4 =	sor.u32 $0x3200, s4;
	s12 =	sor.u32 s0, s10;
	v0 =	vadd.f32 v5, v0  }
0x8e: {  	s31 =	sor.u32 s29, s4;
	v1 =	vadd.f32 v6, v1  }
0x8f: {  	s30 =	sor.u32 s0, s4;
	v0 =	vadd.f32 v3, v0  }
0x90: {  	v1 =	vadd.f32 v4, v1  }
0x91: {  	v0 =	vadd.f32 v2, v0  }
0x92: {  	[tilespmem:s20+$0xFFFFFFF0] =	vst v1  }
0x93: {  	v1 =	vld [tilespmem:s19+$0xFFFFFFF0];
	[tilespmem:s20+$0x0] =	vst v0;
	s20 =	smov.u32 s19  }
0x94: {  	s3 =	sor.u32 s29, s3;
	v0 =	vld [tilespmem:s19+$0x0]  }
0x95: {  	v6 =	vld [tilespmem:s3+$0x0]  }
.Ltmp3:
0x96: {  	v5 =	vld [tilespmem:s6+$0x0];
	(pc) =	sbr.rel @p0 .LBB2_8-.Ltmp3, $4  }
0x97: {  	v4 =	vld [tilespmem:s15+$0x0]  }
0x98: {  	s3 =	sor.u32 s29, s13;
	v2 =	vld [tilespmem:s7+$0x0]  }
0x99: {  	s0 =	sor.u32 s0, s13;
	v3 =	vld [tilespmem:s3+$0x0]  }
0x9a: {  	s19 =	sadd.s32 $0x20, s19;
	v6 =	vadd.f32 v6, v1;
	v1 =	vld [tilespmem:s0+$0x0];
	s0 =	sor.u32 s29, s14  }
0x9b: {  	v7 =	vld [tilespmem:s0+$0x0];
	v0 =	vadd.f32 v5, v0  }
0x9c: {  	v8 =	vld [tilespmem:s28+$0x0];
	v4 =	vadd.f32 v4, v6  }
0x9d: {  	v38 =	vld [tilespmem:s1+$0x0];
	v0 =	vadd.f32 v2, v0  }
0x9e: {  	v39 =	vld [tilespmem:s12+$0x0];
	v40 =	vadd.f32 v3, v4  }
0x9f: {  	v41 =	vld [tilespmem:s31+$0x0];
	v0 =	vadd.f32 v1, v0  }
0xa0: {  	v42 =	vld [tilespmem:s30+$0x0];
	v43 =	vadd.f32 v7, v40  }
0xa1: {  	v44 =	vld [tilespmem:s22+$0x0];
	v0 =	vadd.f32 v8, v0  }
0xa2: {  	v45 =	vld [tilespmem:s23+$0x0];
	v1 =	vadd.f32 v38, v43  }
0xa3: {  	v46 =	vld [tilespmem:s24+$0x0];
	v0 =	vadd.f32 v39, v0  }
0xa4: {  	v47 =	vld [tilespmem:s25+$0x0];
	v1 =	vadd.f32 v41, v1  }
0xa5: {  	v0 =	vadd.f32 v42, v0  }
0xa6: {  	v1 =	vadd.f32 v44, v1  }
0xa7: {  	v0 =	vadd.f32 v45, v0  }
0xa8: {  	v1 =	vadd.f32 v46, v1  }
0xa9: {  	s13 =	sand.u32 $0x180, s21;
	v0 =	vadd.f32 v47, v0  }
0xaa: {  	s14 =	sadd.s32 $0x10, s21;
	s3 =	sand.u32 $0x60, s21;
	s4 =	sor.u32 $0x2800, s13;
	[tilespmem:s20+$0xFFFFFFF0] =	vst v1  }
0xab: {  	s1 =	sand.u32 $0x70, s14;
	s5 =	sor.u32 s3, s4;
	v1 =	vld [tilespmem:s19+$0xFFFFFFF0];
	[tilespmem:s20+$0x0] =	vst v0  }
0xac: {  	s4 =	sor.u32 s1, s4;
	v0 =	vld [tilespmem:s5+$0x0]  }
0xad: {  	s15 =	sor.u32 $0x2A00, s13;
	v48 =	vld [tilespmem:s4+$0x0]  }
0xae: {  	s20 =	sor.u32 s3, s15;
	v49 =	vld [tilespmem:s19+$0x0]  }
0xaf: {  	s21 =	sor.u32 $0x2C00, s13;
	v50 =	vld [tilespmem:s20+$0x0];
	s5 =	sor.u32 s1, s15  }
0xb0: {  	s22 =	sor.u32 s3, s21;
	v51 =	vld [tilespmem:s5+$0x0]  }
0xb1: {  	s23 =	sor.u32 $0x2E00, s13;
	v52 =	vld [tilespmem:s22+$0x0];
	s4 =	sor.u32 s1, s21  }
0xb2: {  	s24 =	sor.u32 s3, s23;
	v53 =	vld [tilespmem:s4+$0x0];
	v0 =	vadd.f32 v0, v1  }
0xb3: {  	s25 =	sor.u32 $0x3000, s13;
	v54 =	vld [tilespmem:s24+$0x0];
	s5 =	sor.u32 s1, s23;
	v2 =	vadd.f32 v48, v49  }
0xb4: {  	s26 =	sor.u32 s3, s25;
	v55 =	vld [tilespmem:s5+$0x0];
	v0 =	vadd.f32 v50, v0  }
0xb5: {  	s28 =	sor.u32 $0x3200, s13;
	v56 =	vld [tilespmem:s26+$0x0];
	s4 =	sor.u32 s1, s25;
	v2 =	vadd.f32 v51, v2  }
0xb6: {  	s29 =	sor.u32 s3, s28;
	v57 =	vld [tilespmem:s4+$0x0];
	v0 =	vadd.f32 v52, v0  }
0xb7: {  	s30 =	sor.u32 $0x3400, s13;
	v58 =	vld [tilespmem:s29+$0x0];
	s5 =	sor.u32 s1, s28;
	v1 =	vadd.f32 v53, v2  }
0xb8: {  	s31 =	sor.u32 s3, s30;
	v59 =	vld [tilespmem:s5+$0x0];
	v0 =	vadd.f32 v54, v0  }
0xb9: {  	s0 =	sor.u32 $0x3600, s13;
	v60 =	vld [tilespmem:s31+$0x0];
	s4 =	sor.u32 s1, s30;
	v1 =	vadd.f32 v55, v1  }
0xba: {  	s3 =	sor.u32 s3, s0;
	v61 =	vld [tilespmem:s4+$0x0];
	v0 =	vadd.f32 v56, v0  }
0xbb: {  	s0 =	sor.u32 s1, s0;
	v62 =	vld [tilespmem:s3+$0x0];
	v1 =	vadd.f32 v57, v1  }
0xbc: {  	v63 =	vld [tilespmem:s0+$0x0];
	v0 =	vadd.f32 v58, v0  }
0xbd: {  	v1 =	vadd.f32 v59, v1  }
0xbe: {  	v0 =	vadd.f32 v60, v0  }
0xbf: {  	v1 =	vadd.f32 v61, v1  }
0xc0: {  	v0 =	vadd.f32 v62, v0  }
0xc1: {  	s18 =	sadd.s32 $0x1, s18;
	v1 =	vadd.f32 v63, v1  }
0xc2: {  	p0 =	sne.s32 s18, s9;
	[tilespmem:s19+$0xFFFFFFF0] =	vst v0  }
.Ltmp4:
0xc3: {  	s5 =	simm.s32 $0x3800;
	[tilespmem:s19+$0x0] =	vst v1;
	(pc) =	sbr.rel @p0 .LBB2_1-.Ltmp4, $4  }
0xc4: {  	[hbm4b:s8+s2] =	stream.linear.scatter [tilespmem:s5], [sflag:$0x3], $0x200, $0x38;
	[tilespmem:$0x3A00] =	vst v63  }
0xc5: {  	_ =	swait.ge [sflag:s16], $0x200  }
0xc6: {  	[sflag:s16] =	ssyncset.done $0x0  }
0xc7: {  	s4 =	simm.s32 $0x1800;
	[sflag:s16] =	ssyncadd.s32 $0xFFFFFE00  }
0xc8: {  	_ =	sfence.sel $0x180000  }
0xc9: {  	[bflag:$0x0] =	sbarrier.arrive $0xFFFF  }
0xca: {  	_ =	strace $0x9000004A  }
0xcb: {  	s0 =	stileid.u32;
	[bflag:$0x2] =	sbarrier.arrive $0xFFFF  }
0xcc: {  	p0 =	sne.s32 s0, $0x0;
	s0 =	rddreg [dreg:$0x2]  }
0xcd: {  	s0 =	sadd.s32 @!p0 $0x100000, s0  }
0xce: {  	[sflag:s0] =	ssyncadd.tile.s32 @!p0 $0x1;
	_ =	shalt  }
.Lfunc_end2:
_tile_overlayer_lowered:
.L_overlay_start_2:
0xcf: {  	(tag) =	ssettag $0x2  }
0xd0: {  	s0 =	rddreg [dreg:$0x0];
	s2 =	stileid.u32  }
0xd1: {  	s1 =	rddreg [dreg:$0x1];
	p0 =	sne.s32 s2, $0x0  }
0xd2: {  	s3 =	rddreg [dreg:$0x2];
	[bflag:$0x3] =	sbarrier.arrive $0xFFFF;
	s2 =	simm.s32 @!p0 $0x1C03  }
0xd3: {  	[timem:s3], [sflag:s2] =	dma.local @!p0 [hbm:s0], s1  }
0xd4: {  	s0 =	simm.s32 @!p0 $0x3  }
0xd5: {  	_ =	swait.ge @!p0 [sflag:s0], s1  }
0xd6: {  	s1 =	ssub.s32 @!p0 $0x0, s1;
	[sflag:s0] =	ssyncset.done @!p0 $0x0  }
0xd7: {  	[sflag:s0] =	ssyncadd.s32 @!p0 s1  }
0xd8: {  	[bflag:$0x3] =	sbarrier.arrive $0xFFFF  }
0xd9: {  	_ =	shalt  }

</sc_bundles>
